<compile_context>
chip_gen: v7x
topology: tpu7x:2x2x1
jax: 0.10.2.dev20260603
libtpu: 0.0.44.dev20260713+nightly
codegen_flags: <defaults>
</compile_context>

<pallas_src>
import functools

import jax
import jax.numpy as jnp
from jax import lax
from jax.experimental import pallas as pl
from jax.experimental.pallas import tpu as pltpu
from jax.experimental.pallas import tpu_sc as plsc

L = 16
NC = 2
NS = 16
NW = NC * NS
CB = 128


def _interp_body(ntime, nbatch, chunk,
                 times_hbm, data_hbm, t_hbm, out_hbm,
                 colblk, t0v, tv, dblk, xblk, ov, cnt_smem, sem):
    cid = lax.axis_index("c")
    sid = lax.axis_index("s")
    wid = sid * NC + cid
    base = pl.multiple_of(wid * chunk, 128)
    rows_per_tile = ntime // NS

    row0 = pl.multiple_of(sid * rows_per_tile, 8)
    cp_t0 = pltpu.make_async_copy(t_hbm.at[pl.ds(0, L)], t0v, sem)
    cp_t = pltpu.make_async_copy(t_hbm.at[pl.ds(base, chunk)], tv, sem)
    half = rows_per_tile // 2
    row1 = pl.multiple_of(row0 + half, 8)
    cp_c = pltpu.make_async_copy(
        times_hbm.at[pl.ds(row0, half), pl.ds(0, CB)],
        colblk.at[pl.ds(0, half)], sem)
    cp_c2 = pltpu.make_async_copy(
        times_hbm.at[pl.ds(row1, half), pl.ds(0, CB)],
        colblk.at[pl.ds(half, half)], sem)
    cp_d = pltpu.make_async_copy(
        data_hbm.at[pl.ds(0, 8), pl.ds(base, chunk)], dblk.at[pl.ds(0, 8)], sem)
    cp_x = pltpu.make_async_copy(
        times_hbm.at[pl.ds(0, 8), pl.ds(base, chunk)], xblk.at[pl.ds(0, 8)], sem)
    cp_t0.start()
    cp_c.start()
    cp_c2.start()
    cp_t.start()
    cp_d.start()
    cp_x.start()

    @pl.when(sid == 0)
    def _zero():
        cnt_smem[0] = 0

    plsc.subcore_barrier()

    cp_t0.wait()
    cp_c.wait()

    t0 = t0v[...][0]
    t0_vec = jnp.full((L,), t0, dtype=jnp.float32)

    @plsc.parallel_loop(0, half, unroll=8,
                        carry=jnp.zeros((L,), dtype=jnp.int32))
    def cnt0(r, c):
        vals = colblk[r, pl.ds(0, L)]
        return c + jnp.where(vals < t0_vec, 1, 0).astype(jnp.int32)

    cp_c2.wait()

    @plsc.parallel_loop(half, rows_per_tile, unroll=8, carry=cnt0)
    def cnt(r, c):
        vals = colblk[r, pl.ds(0, L)]
        return c + jnp.where(vals < t0_vec, 1, 0).astype(jnp.int32)

    plsc.fetch_and_add(cnt_smem.at[0], cnt[0], subcore_id=0)

    cp_d.wait()
    cp_x.wait()
    cp_t.wait()

    def interp_step(lo, k):
        s = pl.ds(k * L, L)
        a = dblk[lo, s]
        b = dblk[lo + 1, s]
        p = xblk[lo, s]
        q = xblk[lo + 1, s]
        tt = tv[s]
        ov[s] = a + (b - a) / (q - p) * (tt - p)

    plsc.parallel_loop(0, chunk // L, unroll=4)(
        functools.partial(interp_step, 0))

    cp_o = pltpu.make_async_copy(ov, out_hbm.at[pl.ds(base, chunk)], sem)
    cp_o.start()

    plsc.subcore_barrier()
    total = plsc.fetch_and_add(cnt_smem.at[0], 0, subcore_id=0)

    gi = jnp.where(total >= ntime, 1, jnp.maximum(total, 1)).astype(jnp.int32)
    gim1 = gi - 1

    rb = pl.multiple_of(
        jnp.minimum((gim1 // 8) * 8, ntime - 2 * 8).astype(jnp.int32), 8)
    loff = gim1 - rb

    @pl.when(gim1 != 0)
    def _redo():
        cp_d2 = pltpu.make_async_copy(
            data_hbm.at[pl.ds(rb, 2 * 8), pl.ds(base, chunk)], dblk, sem)
        cp_x2 = pltpu.make_async_copy(
            times_hbm.at[pl.ds(rb, 2 * 8), pl.ds(base, chunk)], xblk, sem)
        cp_d2.start()
        cp_x2.start()
        cp_d2.wait()
        cp_x2.wait()
        cp_o.wait()
        plsc.parallel_loop(0, chunk // L, unroll=4)(
            functools.partial(interp_step, loff))
        pltpu.sync_copy(ov, out_hbm.at[pl.ds(base, chunk)])

    @pl.when(gim1 == 0)
    def _commit():
        cp_o.wait()


def kernel(times, data, t):
    ntime, nbatch = times.shape
    chunk = nbatch // NW
    mesh = plsc.VectorSubcoreMesh(core_axis_name="c", subcore_axis_name="s")
    body = functools.partial(_interp_body, ntime, nbatch, chunk)
    run = pl.kernel(
        body,
        mesh=mesh,
        out_type=jax.ShapeDtypeStruct((nbatch,), jnp.float32),
        scratch_types=[
            pltpu.VMEM((ntime // NS, CB), jnp.float32),
            pltpu.VMEM((L,), jnp.float32),
            pltpu.VMEM((chunk,), jnp.float32),
            pltpu.VMEM((2 * 8, chunk), jnp.float32),
            pltpu.VMEM((2 * 8, chunk), jnp.float32),
            pltpu.VMEM((chunk,), jnp.float32),
            pltpu.SMEM((1,), jnp.int32),
            pltpu.SemaphoreType.DMA,
        ],
    )
    return run(times, data, t)

# --- scband reference (transcript-rebuilt; emitter-appended) ---
"""Pipeline reference for scband-cheater-batch-time-series-interpolator-1322849927846 (READ-ONLY COPY).

The authoritative reference and input builder live on the scoring server;
editing this copy changes nothing except your own understanding.
"""

import jax, jax.numpy as jnp
import numpy as np


def setup_inputs(seed: int = 0) -> dict:
    key = jax.random.key(seed)
    ntime, nbatch = 1024, 16384
    # 'arange' fill: strictly increasing along time axis (dim 0), as required
    times = jnp.arange(ntime * nbatch, dtype=jnp.float32).reshape(ntime, nbatch)
    k1, k2 = jax.random.split(key)
    data = jax.random.normal(k1, (ntime, nbatch), dtype=jnp.float32)
    # t in [0,1): lies within the first time interval (times[0,0]=0, times[1,0]=nbatch),
    # so gi = max(argmax(times[:,0] >= t[0]), 1) = 1, consistent for all batch entries
    t = jax.random.uniform(k2, (nbatch,), dtype=jnp.float32)
    return {"times": times, "data": data, "t": t}


def reference(times, data, t):
    # __init__: precompute slopes = diff(values)/diff(times) along time axis
    slopes = jnp.diff(data, axis=0) / jnp.diff(times, axis=0)
    # forward: cheater index search using column 0 only
    gi = jnp.maximum(
        jnp.argmax((times[:, 0] >= t[0]).astype(jnp.uint8)),
        jnp.asarray(1, dtype=jnp.int32),
    )
    return data[gi - 1] + slopes[gi - 1] * (t - times[gi - 1])

if __name__ == "__main__":
    import jax
    _d = setup_inputs()
    print(jax.jit(kernel)(*tuple(_d.values())))

</pallas_src>

<mosaic_0001>
#map = affine_map<(d0, d1) -> (0, 0)>
#map1 = affine_map<(d0, d1) -> (0)>
module attributes {stable_mosaic.version = 14 : i64} {
  func.func @_interp_body(%arg0: i32, %arg1: i32, %arg2: memref<1024x16384xf32, #tpu.memory_space<hbm>>, %arg3: memref<1024x16384xf32, #tpu.memory_space<hbm>>, %arg4: memref<16384xf32, #tpu.memory_space<hbm>>, %arg5: memref<16384xf32, #tpu.memory_space<hbm>>, %arg6: memref<64x128xf32, #tpu.memory_space<vmem>>, %arg7: memref<16xf32, #tpu.memory_space<vmem>>, %arg8: memref<512xf32, #tpu.memory_space<vmem>>, %arg9: memref<16x512xf32, #tpu.memory_space<vmem>>, %arg10: memref<16x512xf32, #tpu.memory_space<vmem>>, %arg11: memref<512xf32, #tpu.memory_space<vmem>>, %arg12: memref<1xi32, #tpu.memory_space<smem>>, %arg13: memref<!tpu.dma_semaphore, #tpu.memory_space<semaphore_mem>>) attributes {dimension_semantics = [#tpu.dimension_semantics<core_parallel>, #tpu.dimension_semantics<subcore_parallel>], iteration_bounds = array<i64: 2, 16>, scalar_prefetch = 0 : i64, scratch_operands = 8 : i64, tpu.core_type = #tpu.core_type<sc_vector_subcore>, window_params = [{transform_indices = #map}, {transform_indices = #map}, {transform_indices = #map1}, {transform_indices = #map1}]} {
    %mul3A = arith.constant 2 : i32
    %mul3A_0 = arith.muli %arg1, %mul3A : i32
    %add3A = arith.addi %mul3A_0, %arg0 : i32
    %mul3A_1 = arith.constant 512 : i32
    %mul3A_2 = arith.muli %add3A, %mul3A_1 : i32
    %multiple_of3A = tpu.assume_multiple %mul3A_2, 128 : i32
    %mul3A_3 = arith.constant 64 : i32
    %mul3A_4 = arith.muli %arg1, %mul3A_3 : i32
    %multiple_of3A_5 = tpu.assume_multiple %mul3A_4, 8 : i32
    %add3A_6 = arith.constant 32 : i32
    %add3A_7 = arith.addi %multiple_of3A_5, %add3A_6 : i32
    %multiple_of3A_8 = tpu.assume_multiple %add3A_7, 8 : i32
    %dma_start3A = arith.constant 0 : i32
    %dma_start3A_9 = tpu.memref_slice %arg4[%dma_start3A] : memref<16384xf32, #tpu.memory_space<hbm>> -> memref<16xf32, #tpu.memory_space<hbm>>
    %dma_start3A_10 = arith.constant 0 : i32
    %dma_start3A_11 = tpu.memref_slice %arg4[%dma_start3A_10] : memref<16384xf32, #tpu.memory_space<hbm>> -> memref<16xf32, #tpu.memory_space<hbm>>
    tpu.enqueue_dma source(%dma_start3A_11 : memref<16xf32, #tpu.memory_space<hbm>>) target(%arg7 : memref<16xf32, #tpu.memory_space<vmem>>) target_semaphore(%arg13 : memref<!tpu.dma_semaphore, #tpu.memory_space<semaphore_mem>>)
    %dma_start3A_12 = arith.constant 0 : i32
    %dma_start3A_13 = arith.constant 0 : i32
    %dma_start3A_14 = tpu.memref_slice %arg6[%dma_start3A_12, %dma_start3A_13] : memref<64x128xf32, #tpu.memory_space<vmem>> -> memref<32x128xf32, #tpu.memory_space<vmem>>
    %dma_start3A_15 = arith.constant 0 : i32
    %dma_start3A_16 = tpu.memref_slice %arg2[%multiple_of3A_5, %dma_start3A_15] : memref<1024x16384xf32, #tpu.memory_space<hbm>> -> memref<32x128xf32, #tpu.memory_space<hbm>>
    %dma_start3A_17 = arith.constant 0 : i32
    %dma_start3A_18 = arith.constant 0 : i32
    %dma_start3A_19 = tpu.memref_slice %arg6[%dma_start3A_17, %dma_start3A_18] : memref<64x128xf32, #tpu.memory_space<vmem>> -> memref<32x128xf32, #tpu.memory_space<vmem>>
    %dma_start3A_20 = arith.constant 0 : i32
    %dma_start3A_21 = tpu.memref_slice %arg2[%multiple_of3A_5, %dma_start3A_20] : memref<1024x16384xf32, #tpu.memory_space<hbm>> -> memref<32x128xf32, #tpu.memory_space<hbm>>
    tpu.enqueue_dma source(%dma_start3A_21 : memref<32x128xf32, #tpu.memory_space<hbm>>) target(%dma_start3A_19 : memref<32x128xf32, #tpu.memory_space<vmem>>) target_semaphore(%arg13 : memref<!tpu.dma_semaphore, #tpu.memory_space<semaphore_mem>>)
    %dma_start3A_22 = arith.constant 32 : i32
    %dma_start3A_23 = arith.constant 0 : i32
    %dma_start3A_24 = tpu.memref_slice %arg6[%dma_start3A_22, %dma_start3A_23] : memref<64x128xf32, #tpu.memory_space<vmem>> -> memref<32x128xf32, #tpu.memory_space<vmem>>
    %dma_start3A_25 = arith.constant 0 : i32
    %dma_start3A_26 = tpu.memref_slice %arg2[%multiple_of3A_8, %dma_start3A_25] : memref<1024x16384xf32, #tpu.memory_space<hbm>> -> memref<32x128xf32, #tpu.memory_space<hbm>>
    %dma_start3A_27 = arith.constant 32 : i32
    %dma_start3A_28 = arith.constant 0 : i32
    %dma_start3A_29 = tpu.memref_slice %arg6[%dma_start3A_27, %dma_start3A_28] : memref<64x128xf32, #tpu.memory_space<vmem>> -> memref<32x128xf32, #tpu.memory_space<vmem>>
    %dma_start3A_30 = arith.constant 0 : i32
    %dma_start3A_31 = tpu.memref_slice %arg2[%multiple_of3A_8, %dma_start3A_30] : memref<1024x16384xf32, #tpu.memory_space<hbm>> -> memref<32x128xf32, #tpu.memory_space<hbm>>
    tpu.enqueue_dma source(%dma_start3A_31 : memref<32x128xf32, #tpu.memory_space<hbm>>) target(%dma_start3A_29 : memref<32x128xf32, #tpu.memory_space<vmem>>) target_semaphore(%arg13 : memref<!tpu.dma_semaphore, #tpu.memory_space<semaphore_mem>>)
    %dma_start3A_32 = tpu.memref_slice %arg4[%multiple_of3A] : memref<16384xf32, #tpu.memory_space<hbm>> -> memref<512xf32, #tpu.memory_space<hbm>>
    %dma_start3A_33 = tpu.memref_slice %arg4[%multiple_of3A] : memref<16384xf32, #tpu.memory_space<hbm>> -> memref<512xf32, #tpu.memory_space<hbm>>
    tpu.enqueue_dma source(%dma_start3A_33 : memref<512xf32, #tpu.memory_space<hbm>>) target(%arg8 : memref<512xf32, #tpu.memory_space<vmem>>) target_semaphore(%arg13 : memref<!tpu.dma_semaphore, #tpu.memory_space<semaphore_mem>>)
    %dma_start3A_34 = arith.constant 0 : i32
    %dma_start3A_35 = arith.constant 0 : i32
    %dma_start3A_36 = tpu.memref_slice %arg9[%dma_start3A_34, %dma_start3A_35] : memref<16x512xf32, #tpu.memory_space<vmem>> -> memref<8x512xf32, #tpu.memory_space<vmem>>
    %dma_start3A_37 = arith.constant 0 : i32
    %dma_start3A_38 = tpu.memref_slice %arg3[%dma_start3A_37, %multiple_of3A] : memref<1024x16384xf32, #tpu.memory_space<hbm>> -> memref<8x512xf32, #tpu.memory_space<hbm>>
    %dma_start3A_39 = arith.constant 0 : i32
    %dma_start3A_40 = arith.constant 0 : i32
    %dma_start3A_41 = tpu.memref_slice %arg9[%dma_start3A_39, %dma_start3A_40] : memref<16x512xf32, #tpu.memory_space<vmem>> -> memref<8x512xf32, #tpu.memory_space<vmem>>
    %dma_start3A_42 = arith.constant 0 : i32
    %dma_start3A_43 = tpu.memref_slice %arg3[%dma_start3A_42, %multiple_of3A] : memref<1024x16384xf32, #tpu.memory_space<hbm>> -> memref<8x512xf32, #tpu.memory_space<hbm>>
    tpu.enqueue_dma source(%dma_start3A_43 : memref<8x512xf32, #tpu.memory_space<hbm>>) target(%dma_start3A_41 : memref<8x512xf32, #tpu.memory_space<vmem>>) target_semaphore(%arg13 : memref<!tpu.dma_semaphore, #tpu.memory_space<semaphore_mem>>)
    %dma_start3A_44 = arith.constant 0 : i32
    %dma_start3A_45 = arith.constant 0 : i32
    %dma_start3A_46 = tpu.memref_slice %arg10[%dma_start3A_44, %dma_start3A_45] : memref<16x512xf32, #tpu.memory_space<vmem>> -> memref<8x512xf32, #tpu.memory_space<vmem>>
    %dma_start3A_47 = arith.constant 0 : i32
    %dma_start3A_48 = tpu.memref_slice %arg2[%dma_start3A_47, %multiple_of3A] : memref<1024x16384xf32, #tpu.memory_space<hbm>> -> memref<8x512xf32, #tpu.memory_space<hbm>>
    %dma_start3A_49 = arith.constant 0 : i32
    %dma_start3A_50 = arith.constant 0 : i32
    %dma_start3A_51 = tpu.memref_slice %arg10[%dma_start3A_49, %dma_start3A_50] : memref<16x512xf32, #tpu.memory_space<vmem>> -> memref<8x512xf32, #tpu.memory_space<vmem>>
    %dma_start3A_52 = arith.constant 0 : i32
    %dma_start3A_53 = tpu.memref_slice %arg2[%dma_start3A_52, %multiple_of3A] : memref<1024x16384xf32, #tpu.memory_space<hbm>> -> memref<8x512xf32, #tpu.memory_space<hbm>>
    tpu.enqueue_dma source(%dma_start3A_53 : memref<8x512xf32, #tpu.memory_space<hbm>>) target(%dma_start3A_51 : memref<8x512xf32, #tpu.memory_space<vmem>>) target_semaphore(%arg13 : memref<!tpu.dma_semaphore, #tpu.memory_space<semaphore_mem>>)
    %eq3A = arith.constant 0 : i32
    %eq3A_54 = arith.cmpi eq, %arg1, %eq3A : i32
    %convert_element_type3A = arith.extui %eq3A_54 : i1 to i32
    %cond3A = arith.constant 0 : i32
    %cond3A_55 = arith.cmpi ne, %convert_element_type3A, %cond3A : i32
    scf.if %cond3A_55 {
      %swap3A = arith.constant 0 : i32
      %swap3A_163 = arith.constant 0 : i32
      %swap3A_164 = arith.index_cast %swap3A_163 : i32 to index
      %swap3A_165 = memref.load %arg12[%swap3A_164] : memref<1xi32, #tpu.memory_space<smem>>
      memref.store %swap3A, %arg12[%swap3A_164] : memref<1xi32, #tpu.memory_space<smem>>
    } else {
    }
    %barrier3A = arith.constant 0 : index
    tpu.barrier barrier_id(%barrier3A)
    %dma_wait3A = arith.constant 0 : i32
    %dma_wait3A_56 = tpu.memref_slice %arg4[%dma_wait3A] : memref<16384xf32, #tpu.memory_space<hbm>> -> memref<16xf32, #tpu.memory_space<hbm>>
    %dma_wait3A_57 = arith.constant 0 : i32
    %dma_wait3A_58 = tpu.memref_slice %arg4[%dma_wait3A_57] : memref<16384xf32, #tpu.memory_space<hbm>> -> memref<16xf32, #tpu.memory_space<hbm>>
    tpu.wait_dma2 semaphore(%arg13 : memref<!tpu.dma_semaphore, #tpu.memory_space<semaphore_mem>>) src(%dma_wait3A_58 : memref<16xf32, #tpu.memory_space<hbm>>) dst(%arg7 : memref<16xf32, #tpu.memory_space<vmem>>)
    %dma_wait3A_59 = arith.constant 0 : i32
    %dma_wait3A_60 = arith.constant 0 : i32
    %dma_wait3A_61 = tpu.memref_slice %arg6[%dma_wait3A_59, %dma_wait3A_60] : memref<64x128xf32, #tpu.memory_space<vmem>> -> memref<32x128xf32, #tpu.memory_space<vmem>>
    %dma_wait3A_62 = arith.constant 0 : i32
    %dma_wait3A_63 = tpu.memref_slice %arg2[%multiple_of3A_5, %dma_wait3A_62] : memref<1024x16384xf32, #tpu.memory_space<hbm>> -> memref<32x128xf32, #tpu.memory_space<hbm>>
    %dma_wait3A_64 = arith.constant 0 : i32
    %dma_wait3A_65 = arith.constant 0 : i32
    %dma_wait3A_66 = tpu.memref_slice %arg6[%dma_wait3A_64, %dma_wait3A_65] : memref<64x128xf32, #tpu.memory_space<vmem>> -> memref<32x128xf32, #tpu.memory_space<vmem>>
    %dma_wait3A_67 = arith.constant 0 : i32
    %dma_wait3A_68 = tpu.memref_slice %arg2[%multiple_of3A_5, %dma_wait3A_67] : memref<1024x16384xf32, #tpu.memory_space<hbm>> -> memref<32x128xf32, #tpu.memory_space<hbm>>
    tpu.wait_dma2 semaphore(%arg13 : memref<!tpu.dma_semaphore, #tpu.memory_space<semaphore_mem>>) src(%dma_wait3A_68 : memref<32x128xf32, #tpu.memory_space<hbm>>) dst(%dma_wait3A_66 : memref<32x128xf32, #tpu.memory_space<vmem>>)
    %get3A = arith.constant 0 : index
    %get3A_69 = tpu.vector_load %arg7[%get3A] {strides = array<i32>} : memref<16xf32, #tpu.memory_space<vmem>>, vector<16xf32>,
    %get3A_70 = vector.shape_cast %get3A_69 : vector<16xf32> to vector<16xf32>
    %slice3A = vector.extract_strided_slice %get3A_70 {offsets = [0], sizes = [1], strides = [1]} : vector<16xf32> to vector<1xf32>
    %squeeze3A = vector.extract %slice3A[0] : f32 from vector<1xf32>
    %broadcast_in_dim3A = vector.broadcast %squeeze3A : f32 to vector<16xf32>
    %broadcast_in_dim3A_71 = arith.constant 0 : i32
    %broadcast_in_dim3A_72 = vector.broadcast %broadcast_in_dim3A_71 : i32 to vector<16xi32>
    %parallel_loop3A = arith.constant 0 : i32
    %parallel_loop3A_73 = arith.constant 32 : i32
    %parallel_loop3A_74 = arith.constant 1 : i32
    %parallel_loop3A_75 = scf.for %parallel_loop3A_163 = %parallel_loop3A to %parallel_loop3A_73 step %parallel_loop3A_74 iter_args(%parallel_loop3A_164 = %broadcast_in_dim3A_72) -> (vector<16xi32>)  : i32 {
      %parallel_loop3A_165 = arith.index_cast %parallel_loop3A_163 : i32 to index
      %parallel_loop3A_166 = arith.constant 0 : index
      %parallel_loop3A_167 = tpu.vector_load %arg6[%parallel_loop3A_165, %parallel_loop3A_166] {strides = array<i32>} : memref<64x128xf32, #tpu.memory_space<vmem>>, vector<1x16xf32>,
      %parallel_loop3A_168 = vector.shape_cast %parallel_loop3A_167 : vector<1x16xf32> to vector<16xf32>
      %parallel_loop3A_169 = arith.cmpf olt, %parallel_loop3A_168, %broadcast_in_dim3A : vector<16xf32>
      %parallel_loop3A_170 = arith.constant 1 : i32
      %parallel_loop3A_171 = arith.constant 0 : i32
      %parallel_loop3A_172 = vector.broadcast %parallel_loop3A_170 : i32 to vector<16xi32>
      %parallel_loop3A_173 = vector.broadcast %parallel_loop3A_171 : i32 to vector<16xi32>
      %parallel_loop3A_174 = arith.select %parallel_loop3A_169, %parallel_loop3A_172, %parallel_loop3A_173 : vector<16xi1>, vector<16xi32>
      %parallel_loop3A_175 = arith.addi %parallel_loop3A_164, %parallel_loop3A_174 : vector<16xi32>
      scf.yield %parallel_loop3A_175 : vector<16xi32>
    } {sc.loop_unroll_factor = 8 : i64, sc.parallel_access}
    %dma_wait3A_76 = arith.constant 32 : i32
    %dma_wait3A_77 = arith.constant 0 : i32
    %dma_wait3A_78 = tpu.memref_slice %arg6[%dma_wait3A_76, %dma_wait3A_77] : memref<64x128xf32, #tpu.memory_space<vmem>> -> memref<32x128xf32, #tpu.memory_space<vmem>>
    %dma_wait3A_79 = arith.constant 0 : i32
    %dma_wait3A_80 = tpu.memref_slice %arg2[%multiple_of3A_8, %dma_wait3A_79] : memref<1024x16384xf32, #tpu.memory_space<hbm>> -> memref<32x128xf32, #tpu.memory_space<hbm>>
    %dma_wait3A_81 = arith.constant 32 : i32
    %dma_wait3A_82 = arith.constant 0 : i32
    %dma_wait3A_83 = tpu.memref_slice %arg6[%dma_wait3A_81, %dma_wait3A_82] : memref<64x128xf32, #tpu.memory_space<vmem>> -> memref<32x128xf32, #tpu.memory_space<vmem>>
    %dma_wait3A_84 = arith.constant 0 : i32
    %dma_wait3A_85 = tpu.memref_slice %arg2[%multiple_of3A_8, %dma_wait3A_84] : memref<1024x16384xf32, #tpu.memory_space<hbm>> -> memref<32x128xf32, #tpu.memory_space<hbm>>
    tpu.wait_dma2 semaphore(%arg13 : memref<!tpu.dma_semaphore, #tpu.memory_space<semaphore_mem>>) src(%dma_wait3A_85 : memref<32x128xf32, #tpu.memory_space<hbm>>) dst(%dma_wait3A_83 : memref<32x128xf32, #tpu.memory_space<vmem>>)
    %parallel_loop3A_86 = arith.constant 32 : i32
    %parallel_loop3A_87 = arith.constant 64 : i32
    %parallel_loop3A_88 = arith.constant 1 : i32
    %parallel_loop3A_89 = scf.for %parallel_loop3A_163 = %parallel_loop3A_86 to %parallel_loop3A_87 step %parallel_loop3A_88 iter_args(%parallel_loop3A_164 = %parallel_loop3A_75) -> (vector<16xi32>)  : i32 {
      %parallel_loop3A_165 = arith.index_cast %parallel_loop3A_163 : i32 to index
      %parallel_loop3A_166 = arith.constant 0 : index
      %parallel_loop3A_167 = tpu.vector_load %arg6[%parallel_loop3A_165, %parallel_loop3A_166] {strides = array<i32>} : memref<64x128xf32, #tpu.memory_space<vmem>>, vector<1x16xf32>,
      %parallel_loop3A_168 = vector.shape_cast %parallel_loop3A_167 : vector<1x16xf32> to vector<16xf32>
      %parallel_loop3A_169 = arith.cmpf olt, %parallel_loop3A_168, %broadcast_in_dim3A : vector<16xf32>
      %parallel_loop3A_170 = arith.constant 1 : i32
      %parallel_loop3A_171 = arith.constant 0 : i32
      %parallel_loop3A_172 = vector.broadcast %parallel_loop3A_170 : i32 to vector<16xi32>
      %parallel_loop3A_173 = vector.broadcast %parallel_loop3A_171 : i32 to vector<16xi32>
      %parallel_loop3A_174 = arith.select %parallel_loop3A_169, %parallel_loop3A_172, %parallel_loop3A_173 : vector<16xi1>, vector<16xi32>
      %parallel_loop3A_175 = arith.addi %parallel_loop3A_164, %parallel_loop3A_174 : vector<16xi32>
      scf.yield %parallel_loop3A_175 : vector<16xi32>
    } {sc.loop_unroll_factor = 8 : i64, sc.parallel_access}
    %slice3A_90 = vector.extract_strided_slice %parallel_loop3A_89 {offsets = [0], sizes = [1], strides = [1]} : vector<16xi32> to vector<1xi32>
    %squeeze3A_91 = vector.extract %slice3A_90[0] : i32 from vector<1xi32>
    %sc_fetch_and_add3A = arith.constant 0 : i32
    %sc_fetch_and_add3A_92 = arith.constant 0 : i32
    %sc_fetch_and_add3A_93 = tpu.fetch_and_add_sync %arg12[%sc_fetch_and_add3A], %squeeze3A_91, %sc_fetch_and_add3A_92 : memref<1xi32, #tpu.memory_space<smem>>, i32 -> i32
    %dma_wait3A_94 = arith.constant 0 : i32
    %dma_wait3A_95 = arith.constant 0 : i32
    %dma_wait3A_96 = tpu.memref_slice %arg9[%dma_wait3A_94, %dma_wait3A_95] : memref<16x512xf32, #tpu.memory_space<vmem>> -> memref<8x512xf32, #tpu.memory_space<vmem>>
    %dma_wait3A_97 = arith.constant 0 : i32
    %dma_wait3A_98 = tpu.memref_slice %arg3[%dma_wait3A_97, %multiple_of3A] : memref<1024x16384xf32, #tpu.memory_space<hbm>> -> memref<8x512xf32, #tpu.memory_space<hbm>>
    %dma_wait3A_99 = arith.constant 0 : i32
    %dma_wait3A_100 = arith.constant 0 : i32
    %dma_wait3A_101 = tpu.memref_slice %arg9[%dma_wait3A_99, %dma_wait3A_100] : memref<16x512xf32, #tpu.memory_space<vmem>> -> memref<8x512xf32, #tpu.memory_space<vmem>>
    %dma_wait3A_102 = arith.constant 0 : i32
    %dma_wait3A_103 = tpu.memref_slice %arg3[%dma_wait3A_102, %multiple_of3A] : memref<1024x16384xf32, #tpu.memory_space<hbm>> -> memref<8x512xf32, #tpu.memory_space<hbm>>
    tpu.wait_dma2 semaphore(%arg13 : memref<!tpu.dma_semaphore, #tpu.memory_space<semaphore_mem>>) src(%dma_wait3A_103 : memref<8x512xf32, #tpu.memory_space<hbm>>) dst(%dma_wait3A_101 : memref<8x512xf32, #tpu.memory_space<vmem>>)
    %dma_wait3A_104 = arith.constant 0 : i32
    %dma_wait3A_105 = arith.constant 0 : i32
    %dma_wait3A_106 = tpu.memref_slice %arg10[%dma_wait3A_104, %dma_wait3A_105] : memref<16x512xf32, #tpu.memory_space<vmem>> -> memref<8x512xf32, #tpu.memory_space<vmem>>
    %dma_wait3A_107 = arith.constant 0 : i32
    %dma_wait3A_108 = tpu.memref_slice %arg2[%dma_wait3A_107, %multiple_of3A] : memref<1024x16384xf32, #tpu.memory_space<hbm>> -> memref<8x512xf32, #tpu.memory_space<hbm>>
    %dma_wait3A_109 = arith.constant 0 : i32
    %dma_wait3A_110 = arith.constant 0 : i32
    %dma_wait3A_111 = tpu.memref_slice %arg10[%dma_wait3A_109, %dma_wait3A_110] : memref<16x512xf32, #tpu.memory_space<vmem>> -> memref<8x512xf32, #tpu.memory_space<vmem>>
    %dma_wait3A_112 = arith.constant 0 : i32
    %dma_wait3A_113 = tpu.memref_slice %arg2[%dma_wait3A_112, %multiple_of3A] : memref<1024x16384xf32, #tpu.memory_space<hbm>> -> memref<8x512xf32, #tpu.memory_space<hbm>>
    tpu.wait_dma2 semaphore(%arg13 : memref<!tpu.dma_semaphore, #tpu.memory_space<semaphore_mem>>) src(%dma_wait3A_113 : memref<8x512xf32, #tpu.memory_space<hbm>>) dst(%dma_wait3A_111 : memref<8x512xf32, #tpu.memory_space<vmem>>)
    %dma_wait3A_114 = tpu.memref_slice %arg4[%multiple_of3A] : memref<16384xf32, #tpu.memory_space<hbm>> -> memref<512xf32, #tpu.memory_space<hbm>>
    %dma_wait3A_115 = tpu.memref_slice %arg4[%multiple_of3A] : memref<16384xf32, #tpu.memory_space<hbm>> -> memref<512xf32, #tpu.memory_space<hbm>>
    tpu.wait_dma2 semaphore(%arg13 : memref<!tpu.dma_semaphore, #tpu.memory_space<semaphore_mem>>) src(%dma_wait3A_115 : memref<512xf32, #tpu.memory_space<hbm>>) dst(%arg8 : memref<512xf32, #tpu.memory_space<vmem>>)
    %parallel_loop3A_116 = arith.constant 0 : i32
    %parallel_loop3A_117 = arith.constant 32 : i32
    %parallel_loop3A_118 = arith.constant 1 : i32
    scf.for %parallel_loop3A_163 = %parallel_loop3A_116 to %parallel_loop3A_117 step %parallel_loop3A_118  : i32 {
      %parallel_loop3A_164 = arith.constant 16 : i32
      %parallel_loop3A_165 = arith.muli %parallel_loop3A_163, %parallel_loop3A_164 : i32
      %parallel_loop3A_166 = arith.constant 0 : i32
      %parallel_loop3A_167 = arith.index_cast %parallel_loop3A_166 : i32 to index
      %parallel_loop3A_168 = arith.index_cast %parallel_loop3A_165 : i32 to index
      %parallel_loop3A_169 = tpu.vector_load %arg9[%parallel_loop3A_167, %parallel_loop3A_168] {strides = array<i32>} : memref<16x512xf32, #tpu.memory_space<vmem>>, vector<1x16xf32>,
      %parallel_loop3A_170 = vector.shape_cast %parallel_loop3A_169 : vector<1x16xf32> to vector<16xf32>
      %parallel_loop3A_171 = arith.constant 1 : i32
      %parallel_loop3A_172 = arith.index_cast %parallel_loop3A_171 : i32 to index
      %parallel_loop3A_173 = arith.index_cast %parallel_loop3A_165 : i32 to index
      %parallel_loop3A_174 = tpu.vector_load %arg9[%parallel_loop3A_172, %parallel_loop3A_173] {strides = array<i32>} : memref<16x512xf32, #tpu.memory_space<vmem>>, vector<1x16xf32>,
      %parallel_loop3A_175 = vector.shape_cast %parallel_loop3A_174 : vector<1x16xf32> to vector<16xf32>
      %parallel_loop3A_176 = arith.constant 0 : i32
      %parallel_loop3A_177 = arith.index_cast %parallel_loop3A_176 : i32 to index
      %parallel_loop3A_178 = arith.index_cast %parallel_loop3A_165 : i32 to index
      %parallel_loop3A_179 = tpu.vector_load %arg10[%parallel_loop3A_177, %parallel_loop3A_178] {strides = array<i32>} : memref<16x512xf32, #tpu.memory_space<vmem>>, vector<1x16xf32>,
      %parallel_loop3A_180 = vector.shape_cast %parallel_loop3A_179 : vector<1x16xf32> to vector<16xf32>
      %parallel_loop3A_181 = arith.constant 1 : i32
      %parallel_loop3A_182 = arith.index_cast %parallel_loop3A_181 : i32 to index
      %parallel_loop3A_183 = arith.index_cast %parallel_loop3A_165 : i32 to index
      %parallel_loop3A_184 = tpu.vector_load %arg10[%parallel_loop3A_182, %parallel_loop3A_183] {strides = array<i32>} : memref<16x512xf32, #tpu.memory_space<vmem>>, vector<1x16xf32>,
      %parallel_loop3A_185 = vector.shape_cast %parallel_loop3A_184 : vector<1x16xf32> to vector<16xf32>
      %parallel_loop3A_186 = arith.index_cast %parallel_loop3A_165 : i32 to index
      %parallel_loop3A_187 = tpu.vector_load %arg8[%parallel_loop3A_186] {strides = array<i32>} : memref<512xf32, #tpu.memory_space<vmem>>, vector<16xf32>,
      %parallel_loop3A_188 = vector.shape_cast %parallel_loop3A_187 : vector<16xf32> to vector<16xf32>
      %parallel_loop3A_189 = arith.subf %parallel_loop3A_175, %parallel_loop3A_170 : vector<16xf32>
      %parallel_loop3A_190 = arith.subf %parallel_loop3A_185, %parallel_loop3A_180 : vector<16xf32>
      %parallel_loop3A_191 = arith.divf %parallel_loop3A_189, %parallel_loop3A_190 : vector<16xf32>
      %parallel_loop3A_192 = arith.subf %parallel_loop3A_188, %parallel_loop3A_180 : vector<16xf32>
      %parallel_loop3A_193 = arith.mulf %parallel_loop3A_191, %parallel_loop3A_192 : vector<16xf32>
      %parallel_loop3A_194 = arith.addf %parallel_loop3A_170, %parallel_loop3A_193 : vector<16xf32>
      %parallel_loop3A_195 = arith.index_cast %parallel_loop3A_165 : i32 to index
      %parallel_loop3A_196 = tpu.vector_load %arg11[%parallel_loop3A_195] {strides = array<i32>} : memref<512xf32, #tpu.memory_space<vmem>>, vector<16xf32>,
      %parallel_loop3A_197 = vector.shape_cast %parallel_loop3A_196 : vector<16xf32> to vector<16xf32>
      %parallel_loop3A_198 = vector.shape_cast %parallel_loop3A_194 : vector<16xf32> to vector<16xf32>
      tpu.vector_store %arg11[%parallel_loop3A_195], %parallel_loop3A_198 {strides = array<i32>} : memref<512xf32, #tpu.memory_space<vmem>>, vector<16xf32>,
    } {sc.loop_unroll_factor = 4 : i64, sc.parallel_access}
    %dma_start3A_119 = tpu.memref_slice %arg5[%multiple_of3A] : memref<16384xf32, #tpu.memory_space<hbm>> -> memref<512xf32, #tpu.memory_space<hbm>>
    %dma_start3A_120 = tpu.memref_slice %arg5[%multiple_of3A] : memref<16384xf32, #tpu.memory_space<hbm>> -> memref<512xf32, #tpu.memory_space<hbm>>
    tpu.enqueue_dma source(%arg11 : memref<512xf32, #tpu.memory_space<vmem>>) target(%dma_start3A_120 : memref<512xf32, #tpu.memory_space<hbm>>) target_semaphore(%arg13 : memref<!tpu.dma_semaphore, #tpu.memory_space<semaphore_mem>>)
    %barrier3A_121 = arith.constant 0 : index
    tpu.barrier barrier_id(%barrier3A_121)
    %sc_fetch_and_add3A_122 = arith.constant 0 : i32
    %sc_fetch_and_add3A_123 = arith.constant 0 : i32
    %sc_fetch_and_add3A_124 = arith.constant 0 : i32
    %sc_fetch_and_add3A_125 = tpu.fetch_and_add_sync %arg12[%sc_fetch_and_add3A_123], %sc_fetch_and_add3A_122, %sc_fetch_and_add3A_124 : memref<1xi32, #tpu.memory_space<smem>>, i32 -> i32
    %ge3A = arith.constant 1024 : i32
    %ge3A_126 = arith.cmpi sge, %sc_fetch_and_add3A_125, %ge3A : i32
    %max3A = arith.constant 1 : i32
    %max3A_127 = arith.maxsi %sc_fetch_and_add3A_125, %max3A : i32
    %jit3A = arith.constant 1 : i32
    %select_n3A = arith.select %ge3A_126, %jit3A, %max3A_127 : i32
    %sub3A = arith.constant 1 : i32
    %sub3A_128 = arith.subi %select_n3A, %sub3A : i32
    %jit3A_129 = arith.constant 8 : i32
    %div3A = arith.divsi %sub3A_128, %jit3A_129 : i32
    %sign3A = arith.constant 0 : i32
    %sign3A_130 = arith.cmpi sgt, %sub3A_128, %sign3A : i32
    %sign3A_131 = arith.extui %sign3A_130 : i1 to i32
    %sign3A_132 = arith.constant 0 : i32
    %sign3A_133 = arith.cmpi slt, %sub3A_128, %sign3A_132 : i32
    %sign3A_134 = arith.extui %sign3A_133 : i1 to i32
    %sign3A_135 = arith.subi %sign3A_131, %sign3A_134 : i32
    %sign3A_136 = arith.constant 0 : i32
    %sign3A_137 = arith.cmpi sgt, %jit3A_129, %sign3A_136 : i32
    %sign3A_138 = arith.extui %sign3A_137 : i1 to i32
    %sign3A_139 = arith.constant 0 : i32
    %sign3A_140 = arith.cmpi slt, %jit3A_129, %sign3A_139 : i32
    %sign3A_141 = arith.extui %sign3A_140 : i1 to i32
    %sign3A_142 = arith.subi %sign3A_138, %sign3A_141 : i32
    %ne3A = arith.cmpi ne, %sign3A_135, %sign3A_142 : i32
    %rem3A = arith.remsi %sub3A_128, %jit3A_129 : i32
    %ne3A_143 = arith.constant 0 : i32
    %ne3A_144 = arith.cmpi ne, %rem3A, %ne3A_143 : i32
    %and3A = arith.andi %ne3A, %ne3A_144 : i1
    %sub3A_145 = arith.constant 1 : i32
    %sub3A_146 = arith.subi %div3A, %sub3A_145 : i32
    %select_n3A_147 = arith.select %and3A, %sub3A_146, %div3A : i32
    %mul3A_148 = arith.constant 8 : i32
    %mul3A_149 = arith.muli %select_n3A_147, %mul3A_148 : i32
    %min3A = arith.constant 1008 : i32
    %min3A_150 = arith.minsi %mul3A_149, %min3A : i32
    %multiple_of3A_151 = tpu.assume_multiple %min3A_150, 8 : i32
    %sub3A_152 = arith.subi %sub3A_128, %multiple_of3A_151 : i32
    %ne3A_153 = arith.constant 0 : i32
    %ne3A_154 = arith.cmpi ne, %sub3A_128, %ne3A_153 : i32
    %convert_element_type3A_155 = arith.extui %ne3A_154 : i1 to i32
    %cond3A_156 = arith.constant 0 : i32
    %cond3A_157 = arith.cmpi ne, %convert_element_type3A_155, %cond3A_156 : i32
    scf.if %cond3A_157 {
      %dma_start3A_163 = tpu.memref_slice %arg3[%multiple_of3A_151, %multiple_of3A] : memref<1024x16384xf32, #tpu.memory_space<hbm>> -> memref<16x512xf32, #tpu.memory_space<hbm>>
      %dma_start3A_164 = tpu.memref_slice %arg3[%multiple_of3A_151, %multiple_of3A] : memref<1024x16384xf32, #tpu.memory_space<hbm>> -> memref<16x512xf32, #tpu.memory_space<hbm>>
      tpu.enqueue_dma source(%dma_start3A_164 : memref<16x512xf32, #tpu.memory_space<hbm>>) target(%arg9 : memref<16x512xf32, #tpu.memory_space<vmem>>) target_semaphore(%arg13 : memref<!tpu.dma_semaphore, #tpu.memory_space<semaphore_mem>>)
      %dma_start3A_165 = tpu.memref_slice %arg2[%multiple_of3A_151, %multiple_of3A] : memref<1024x16384xf32, #tpu.memory_space<hbm>> -> memref<16x512xf32, #tpu.memory_space<hbm>>
      %dma_start3A_166 = tpu.memref_slice %arg2[%multiple_of3A_151, %multiple_of3A] : memref<1024x16384xf32, #tpu.memory_space<hbm>> -> memref<16x512xf32, #tpu.memory_space<hbm>>
      tpu.enqueue_dma source(%dma_start3A_166 : memref<16x512xf32, #tpu.memory_space<hbm>>) target(%arg10 : memref<16x512xf32, #tpu.memory_space<vmem>>) target_semaphore(%arg13 : memref<!tpu.dma_semaphore, #tpu.memory_space<semaphore_mem>>)
      %dma_wait3A_167 = tpu.memref_slice %arg3[%multiple_of3A_151, %multiple_of3A] : memref<1024x16384xf32, #tpu.memory_space<hbm>> -> memref<16x512xf32, #tpu.memory_space<hbm>>
      %dma_wait3A_168 = tpu.memref_slice %arg3[%multiple_of3A_151, %multiple_of3A] : memref<1024x16384xf32, #tpu.memory_space<hbm>> -> memref<16x512xf32, #tpu.memory_space<hbm>>
      tpu.wait_dma2 semaphore(%arg13 : memref<!tpu.dma_semaphore, #tpu.memory_space<semaphore_mem>>) src(%dma_wait3A_168 : memref<16x512xf32, #tpu.memory_space<hbm>>) dst(%arg9 : memref<16x512xf32, #tpu.memory_space<vmem>>)
      %dma_wait3A_169 = tpu.memref_slice %arg2[%multiple_of3A_151, %multiple_of3A] : memref<1024x16384xf32, #tpu.memory_space<hbm>> -> memref<16x512xf32, #tpu.memory_space<hbm>>
      %dma_wait3A_170 = tpu.memref_slice %arg2[%multiple_of3A_151, %multiple_of3A] : memref<1024x16384xf32, #tpu.memory_space<hbm>> -> memref<16x512xf32, #tpu.memory_space<hbm>>
      tpu.wait_dma2 semaphore(%arg13 : memref<!tpu.dma_semaphore, #tpu.memory_space<semaphore_mem>>) src(%dma_wait3A_170 : memref<16x512xf32, #tpu.memory_space<hbm>>) dst(%arg10 : memref<16x512xf32, #tpu.memory_space<vmem>>)
      %dma_wait3A_171 = tpu.memref_slice %arg5[%multiple_of3A] : memref<16384xf32, #tpu.memory_space<hbm>> -> memref<512xf32, #tpu.memory_space<hbm>>
      %dma_wait3A_172 = tpu.memref_slice %arg5[%multiple_of3A] : memref<16384xf32, #tpu.memory_space<hbm>> -> memref<512xf32, #tpu.memory_space<hbm>>
      tpu.wait_dma2 semaphore(%arg13 : memref<!tpu.dma_semaphore, #tpu.memory_space<semaphore_mem>>) src(%arg11 : memref<512xf32, #tpu.memory_space<vmem>>) dst(%dma_wait3A_172 : memref<512xf32, #tpu.memory_space<hbm>>)
      %parallel_loop3A_173 = arith.constant 0 : i32
      %parallel_loop3A_174 = arith.constant 32 : i32
      %parallel_loop3A_175 = arith.constant 1 : i32
      scf.for %parallel_loop3A_176 = %parallel_loop3A_173 to %parallel_loop3A_174 step %parallel_loop3A_175  : i32 {
        %parallel_loop3A_177 = arith.constant 16 : i32
        %parallel_loop3A_178 = arith.muli %parallel_loop3A_176, %parallel_loop3A_177 : i32
        %parallel_loop3A_179 = arith.index_cast %sub3A_152 : i32 to index
        %parallel_loop3A_180 = arith.index_cast %parallel_loop3A_178 : i32 to index
        %parallel_loop3A_181 = tpu.vector_load %arg9[%parallel_loop3A_179, %parallel_loop3A_180] {strides = array<i32>} : memref<16x512xf32, #tpu.memory_space<vmem>>, vector<1x16xf32>,
        %parallel_loop3A_182 = vector.shape_cast %parallel_loop3A_181 : vector<1x16xf32> to vector<16xf32>
        %parallel_loop3A_183 = arith.constant 1 : i32
        %parallel_loop3A_184 = arith.addi %sub3A_152, %parallel_loop3A_183 : i32
        %parallel_loop3A_185 = arith.index_cast %parallel_loop3A_184 : i32 to index
        %parallel_loop3A_186 = arith.index_cast %parallel_loop3A_178 : i32 to index
        %parallel_loop3A_187 = tpu.vector_load %arg9[%parallel_loop3A_185, %parallel_loop3A_186] {strides = array<i32>} : memref<16x512xf32, #tpu.memory_space<vmem>>, vector<1x16xf32>,
        %parallel_loop3A_188 = vector.shape_cast %parallel_loop3A_187 : vector<1x16xf32> to vector<16xf32>
        %parallel_loop3A_189 = arith.index_cast %sub3A_152 : i32 to index
        %parallel_loop3A_190 = arith.index_cast %parallel_loop3A_178 : i32 to index
        %parallel_loop3A_191 = tpu.vector_load %arg10[%parallel_loop3A_189, %parallel_loop3A_190] {strides = array<i32>} : memref<16x512xf32, #tpu.memory_space<vmem>>, vector<1x16xf32>,
        %parallel_loop3A_192 = vector.shape_cast %parallel_loop3A_191 : vector<1x16xf32> to vector<16xf32>
        %parallel_loop3A_193 = arith.constant 1 : i32
        %parallel_loop3A_194 = arith.addi %sub3A_152, %parallel_loop3A_193 : i32
        %parallel_loop3A_195 = arith.index_cast %parallel_loop3A_194 : i32 to index
        %parallel_loop3A_196 = arith.index_cast %parallel_loop3A_178 : i32 to index
        %parallel_loop3A_197 = tpu.vector_load %arg10[%parallel_loop3A_195, %parallel_loop3A_196] {strides = array<i32>} : memref<16x512xf32, #tpu.memory_space<vmem>>, vector<1x16xf32>,
        %parallel_loop3A_198 = vector.shape_cast %parallel_loop3A_197 : vector<1x16xf32> to vector<16xf32>
        %parallel_loop3A_199 = arith.index_cast %parallel_loop3A_178 : i32 to index
        %parallel_loop3A_200 = tpu.vector_load %arg8[%parallel_loop3A_199] {strides = array<i32>} : memref<512xf32, #tpu.memory_space<vmem>>, vector<16xf32>,
        %parallel_loop3A_201 = vector.shape_cast %parallel_loop3A_200 : vector<16xf32> to vector<16xf32>
        %parallel_loop3A_202 = arith.subf %parallel_loop3A_188, %parallel_loop3A_182 : vector<16xf32>
        %parallel_loop3A_203 = arith.subf %parallel_loop3A_198, %parallel_loop3A_192 : vector<16xf32>
        %parallel_loop3A_204 = arith.divf %parallel_loop3A_202, %parallel_loop3A_203 : vector<16xf32>
        %parallel_loop3A_205 = arith.subf %parallel_loop3A_201, %parallel_loop3A_192 : vector<16xf32>
        %parallel_loop3A_206 = arith.mulf %parallel_loop3A_204, %parallel_loop3A_205 : vector<16xf32>
        %parallel_loop3A_207 = arith.addf %parallel_loop3A_182, %parallel_loop3A_206 : vector<16xf32>
        %parallel_loop3A_208 = arith.index_cast %parallel_loop3A_178 : i32 to index
        %parallel_loop3A_209 = tpu.vector_load %arg11[%parallel_loop3A_208] {strides = array<i32>} : memref<512xf32, #tpu.memory_space<vmem>>, vector<16xf32>,
        %parallel_loop3A_210 = vector.shape_cast %parallel_loop3A_209 : vector<16xf32> to vector<16xf32>
        %parallel_loop3A_211 = vector.shape_cast %parallel_loop3A_207 : vector<16xf32> to vector<16xf32>
        tpu.vector_store %arg11[%parallel_loop3A_208], %parallel_loop3A_211 {strides = array<i32>} : memref<512xf32, #tpu.memory_space<vmem>>, vector<16xf32>,
      } {sc.loop_unroll_factor = 4 : i64, sc.parallel_access}
      "tpu.region"() ({
        %run_scoped3A = tpu.sem_alloc : memref<!tpu.dma_semaphore, #tpu.memory_space<semaphore_mem>>
        %dma_start3A_176 = tpu.memref_slice %arg5[%multiple_of3A] : memref<16384xf32, #tpu.memory_space<hbm>> -> memref<512xf32, #tpu.memory_space<hbm>>
        %dma_start3A_177 = tpu.memref_slice %arg5[%multiple_of3A] : memref<16384xf32, #tpu.memory_space<hbm>> -> memref<512xf32, #tpu.memory_space<hbm>>
        tpu.enqueue_dma source(%arg11 : memref<512xf32, #tpu.memory_space<vmem>>) target(%dma_start3A_177 : memref<512xf32, #tpu.memory_space<hbm>>) target_semaphore(%run_scoped3A : memref<!tpu.dma_semaphore, #tpu.memory_space<semaphore_mem>>)
        %dma_wait3A_178 = tpu.memref_slice %arg5[%multiple_of3A] : memref<16384xf32, #tpu.memory_space<hbm>> -> memref<512xf32, #tpu.memory_space<hbm>>
        %dma_wait3A_179 = tpu.memref_slice %arg5[%multiple_of3A] : memref<16384xf32, #tpu.memory_space<hbm>> -> memref<512xf32, #tpu.memory_space<hbm>>
        tpu.wait_dma2 semaphore(%run_scoped3A : memref<!tpu.dma_semaphore, #tpu.memory_space<semaphore_mem>>) src(%arg11 : memref<512xf32, #tpu.memory_space<vmem>>) dst(%dma_wait3A_179 : memref<512xf32, #tpu.memory_space<hbm>>)
        tpu.yield
      }) : () -> ()
    } else {
    }
    %eq3A_158 = arith.constant 0 : i32
    %eq3A_159 = arith.cmpi eq, %sub3A_128, %eq3A_158 : i32
    %convert_element_type3A_160 = arith.extui %eq3A_159 : i1 to i32
    %cond3A_161 = arith.constant 0 : i32
    %cond3A_162 = arith.cmpi ne, %convert_element_type3A_160, %cond3A_161 : i32
    scf.if %cond3A_162 {
      %dma_wait3A_163 = tpu.memref_slice %arg5[%multiple_of3A] : memref<16384xf32, #tpu.memory_space<hbm>> -> memref<512xf32, #tpu.memory_space<hbm>>
      %dma_wait3A_164 = tpu.memref_slice %arg5[%multiple_of3A] : memref<16384xf32, #tpu.memory_space<hbm>> -> memref<512xf32, #tpu.memory_space<hbm>>
      tpu.wait_dma2 semaphore(%arg13 : memref<!tpu.dma_semaphore, #tpu.memory_space<semaphore_mem>>) src(%arg11 : memref<512xf32, #tpu.memory_space<vmem>>) dst(%dma_wait3A_164 : memref<512xf32, #tpu.memory_space<hbm>>)
    } else {
    }
    return
  }
}

</mosaic_0001>

<sc_bundles>
// kernel: kernel.3.cloned.1.call-start
scs
__scs_entry_jumppad:
0x0: {  	(pc) =	sbr.rel $0x88, $3  }
0x1: {  	(tag) =	ssettag $0x0;
	lr =	simm.s32 $0x1  }
0x2: {  	[smem:$0x3F9E] =	sst lr;
	_ =	strace $0xD0000000  }
0x3: {  	_ = 	snop  }
0x4: {  	_ = 	snop  }
0x5: {  	_ = 	snop  }
0x6: {  	_ = 	snop  }
0x7: {  	_ = 	snop  }
__scs_overlays_trampoline_lowered:
0x8: {  	[smem:$0x3FAD] =	sst s0  }
0x9: {  	[smem:$0x3FAE] =	sst s1  }
0xa: {  	[smem:$0x3FAF] =	sst s2  }
0xb: {  	[smem:$0x3FB0] =	sst s3  }
0xc: {  	[smem:$0x3FB1] =	sst s4  }
0xd: {  	[smem:$0x3FB2] =	sst s5  }
0xe: {  	[smem:$0x3FB3] =	sst s6  }
0xf: {  	[smem:$0x3FB4] =	sst s7  }
0x10: {  	[smem:$0x3FB5] =	sst s8  }
0x11: {  	[smem:$0x3FB6] =	sst s9;
	s0 =	simm.s32 @!p0 $0x0  }
0x12: {  	s1 =	sld [smem:$0x3F9C];
	s0 =	simm.s32 @p0 $0x1  }
0x13: {  	[smem:$0x3FB7] =	sst s0;
	s0 =	simm.s32 @!p1 $0x0  }
0x14: {  	s2 =	sld [smem:$0x3F9B];
	s0 =	simm.s32 @p1 $0x1  }
0x15: {  	[smem:$0x3FB8] =	sst s0;
	s0 =	simm.s32 @!p2 $0x0  }
0x16: {  	s3 =	sld [smem:$0x3FDB];
	s0 =	simm.s32 @p2 $0x1  }
0x17: {  	s4 =	simm.s32 $0x1BF5;
	[smem:$0x3FBA] =	sst s0  }
0x18: {  	s0 =	sld [smem:$0x3F9D];
	_ =	swait.ge [sflag:s4], $0x0  }
0x19: {  	s7 =	sld [smem:$0x3F9E]  }
0x1a: {  	s8 =	sadd.s32 $0xFFFFE003, lr  }
0x1b: {  	s9 =	sadd.s32 $0xFFFFFEF7, lr;
	s5 =	simm.s32 $0xFFFFFFFF;
	p2 =	slt.u32 s8, $0xFFFFF086  }
0x1c: {  	p1 =	slt.u32 s9, $0xF7A;
	s5 =	simm.s32 @!p2 $0x0  }
0x1d: {  	s5 =	simm.s32 @p1 $0x1;
	p0 =	seq.s32 s7, s2  }
0x1e: {  	s7 =	smul.u32 @!p0 $0xF7A, s2;
	p2 =	seq.s32 @!p0 s5, $0x0  }
0x1f: {  	s9 =	smul.u32 $0xF7A, s1;
	s8 =	simm.s32 @!p0 $0x1BF5;
	p2 =	por !p2, p0  }
0x20: {  	[sflag:s8] =	ssyncset.s32 @!p0 $0xFFFFF086;
	s6 =	sadd.s32 @!p0 s3, s7;
	s7 =	simm.s32 @!p0 $0x108  }
0x21: {  	s3 =	sadd.s32 s3, s9;
	s6 =	sadd.s32 @!p0 $0x88, s6;
	s7 =	simm.s32 @p2 $0x1082  }
0x22: {  	[simem:s7], [sflag:s8] =	dma.local @!p0 [hbm:s6], $0xF7A  }
0x23: {  	s9 =	sor.u32 $0xD0000000, s2;
	s6 =	simm.s32 $0x108;
	_ =	swait.ge @!p0 [sflag:s8], $0x0  }
0x24: {  	s3 =	sadd.s32 $0x88, s3;
	s6 =	simm.s32 @!p1 $0x1082;
	[sflag:s4] =	ssyncset.s32 $0xFFFFF086  }
0x25: {  	[simem:s6], [sflag:s4] =	dma.local [hbm:s3], $0xF7A  }
0x26: {  	[smem:$0x3F9E] =	sst s1;
	(tag) =	ssettag s2;
	_ =	strace s9  }
0x27: {  	s1 =	sld [smem:$0x3FAE]  }
0x28: {  	s2 =	sld [smem:$0x3FAF]  }
0x29: {  	s4 =	sld [smem:$0x3FB1]  }
0x2a: {  	p0 =	seq.s32 s5, $0x0;
	s5 =	sld [smem:$0x3FB2]  }
0x2b: {  	s6 =	sld [smem:$0x3FB3]  }
0x2c: {  	s7 =	sld [smem:$0x3FB4]  }
0x2d: {  	s3 =	simm.s32 $0x108;
	s8 =	sld [smem:$0x3FB5]  }
0x2e: {  	s3 =	simm.s32 @!p0 $0x1082;
	s9 =	sld [smem:$0x3FB6]  }
0x2f: {  	lr =	sadd.s32 s0, s3;
	s0 =	sld [smem:$0x3FAD]  }
0x30: {  	s3 =	sld [smem:$0x3FB0]  }
0x31: {  	[smem:$0x3FB9] =	sst s10  }
0x32: {  	s10 =	sld [smem:$0x3FB7];
	_ =	sdelay $0x3  }
0x33: {  	p0 =	seq.s32 s10, $0x1;
	s10 =	sld [smem:$0x3FB9];
	_ =	sdelay $0x3  }
0x34: {  	[smem:$0x3FB9] =	sst s10  }
0x35: {  	s10 =	sld [smem:$0x3FB8];
	_ =	sdelay $0x3  }
0x36: {  	p1 =	seq.s32 s10, $0x1;
	s10 =	sld [smem:$0x3FB9];
	_ =	sdelay $0x3  }
0x37: {  	[smem:$0x3FB9] =	sst s10  }
0x38: {  	s10 =	sld [smem:$0x3FBA]  }
0x39: {  	_ = 	snop;
	(pc) =	sbr.ind lr, $3  }
0x3a: {  	_ = 	snop  }
0x3b: {  	_ = 	snop  }
0x3c: {  	p2 =	seq.s32 s10, $0x1;
	s10 =	sld [smem:$0x3FB9]  }
0x3d: {  	_ =	shalt  }
0x3e: {  	_ =	shalt  }
0x3f: {  	_ =	shalt  }
0x40: {  	_ =	shalt  }
0x41: {  	_ =	shalt  }
0x42: {  	_ =	shalt  }
0x43: {  	_ =	shalt  }
0x44: {  	_ =	shalt  }
0x45: {  	_ =	shalt  }
0x46: {  	_ =	shalt  }
0x47: {  	_ =	shalt  }
0x48: {  	_ =	shalt  }
0x49: {  	_ =	shalt  }
0x4a: {  	_ =	shalt  }
0x4b: {  	_ =	shalt  }
0x4c: {  	_ =	shalt  }
0x4d: {  	_ =	shalt  }
0x4e: {  	_ =	shalt  }
0x4f: {  	_ =	shalt  }
0x50: {  	_ =	shalt  }
0x51: {  	_ =	shalt  }
0x52: {  	_ =	shalt  }
0x53: {  	_ =	shalt  }
0x54: {  	_ =	shalt  }
0x55: {  	_ =	shalt  }
0x56: {  	_ =	shalt  }
0x57: {  	_ =	shalt  }
0x58: {  	_ =	shalt  }
0x59: {  	_ =	shalt  }
0x5a: {  	_ =	shalt  }
0x5b: {  	_ =	shalt  }
0x5c: {  	_ =	shalt  }
0x5d: {  	_ =	shalt  }
0x5e: {  	_ =	shalt  }
0x5f: {  	_ =	shalt  }
0x60: {  	_ =	shalt  }
0x61: {  	_ =	shalt  }
0x62: {  	_ =	shalt  }
0x63: {  	_ =	shalt  }
0x64: {  	_ =	shalt  }
0x65: {  	_ =	shalt  }
0x66: {  	_ =	shalt  }
0x67: {  	_ =	shalt  }
0x68: {  	_ =	shalt  }
0x69: {  	_ =	shalt  }
0x6a: {  	_ =	shalt  }
0x6b: {  	_ =	shalt  }
0x6c: {  	_ =	shalt  }
0x6d: {  	_ =	shalt  }
0x6e: {  	_ =	shalt  }
0x6f: {  	_ =	shalt  }
0x70: {  	_ =	shalt  }
0x71: {  	_ =	shalt  }
0x72: {  	_ =	shalt  }
0x73: {  	_ =	shalt  }
0x74: {  	_ =	shalt  }
0x75: {  	_ =	shalt  }
0x76: {  	_ =	shalt  }
0x77: {  	_ =	shalt  }
0x78: {  	_ =	shalt  }
0x79: {  	_ =	shalt  }
0x7a: {  	_ =	shalt  }
0x7b: {  	_ =	shalt  }
0x7c: {  	_ =	shalt  }
0x7d: {  	_ =	shalt  }
0x7e: {  	_ =	shalt  }
0x7f: {  	_ =	shalt  }
0x80: {  	_ =	shalt  }
0x81: {  	_ =	shalt  }
0x82: {  	_ =	shalt  }
0x83: {  	_ =	shalt  }
0x84: {  	_ =	shalt  }
0x85: {  	_ =	shalt  }
0x86: {  	_ =	shalt  }
0x87: {  	_ =	shalt  }
.Lfunc_end0:
.L_simem_size_0:
called_computation_lowered:
.L_overlay_start_0:
0x88: {  	s2 =	sld [smem:$0x3FD9]  }
0x89: {  	s3 =	sld [smem:$0x3FFE];
	_ =	sdelay $0x1  }
0x8a: {  	s1 =	srdreg.scid  }
0x8b: {  	s0 =	sand.u32 $0x1, s1  }
0x8c: {  	s18 =	sshll.u32 s0, $0xA;
	s2 =	sadd.s32 s3, s2  }
0x8d: {  	s2 =	sadd.s32 s2, s18  }
0x8e: {  	[smem:$0x3FC5] =	sst s2  }
0x8f: {  	_ = 	snop  }
0x90: {  	s2 =	sld [smem:$0x3FC9]  }
0x91: {  	s19 =	sld [smem:$0x3FC8]  }
0x92: {  	s4 =	sld [smem:$0x3FC7]  }
0x93: {  	s5 =	sld [smem:$0x3FD0];
	(tm) =	ssettm $0x1  }
0x94: {  	s6 =	sld [smem:$0x3FFB];
	_ =	sdelay $0x3  }
0x95: {  	_ =	strace s6  }
0x96: {  	s6 =	sld [smem:$0x3FFC];
	_ =	sdelay $0x3  }
0x97: {  	_ =	strace s6  }
0x98: {  	s6 =	sld [smem:$0x3FFD];
	_ =	sdelay $0x3  }
0x99: {  	_ =	strace s6  }
0x9a: {  	_ =	strace $0x8FFFFFFF  }
0x9b: {  	s20 =	sld [smem:$0x3FDB];
	_ =	sdelay $0x1  }
0x9c: {  	s7 =	simm.s32 $_scs_section_size  }
0x9d: {  	s8 =	simm.s32 $_size__tile_overlayer_lowered;
	s9 =	simm.s32 $_tile_overlayer_lowered  }
0x9e: {  	s23 =	simm.s32 $0x1BFF;
	s22 =	sshll.u32 s9, $0x1;
	s6 =	sadd.s32 s7, s20  }
0x9f: {  	s10 =	simm.s32 $0x0;
	s21 =	sshll.u32 s8, $0x1;
	s8 =	sadd.s32 s22, s6  }
0xa0: {  	[timem:s10], [sflag:s23] =	dma.local [hbm:s8], s21  }
0xa1: {  	_ =	swait.ge [sflag:s23], s21  }
0xa2: {  	s7 =	ssub.s32 $0x0, s21;
	[sflag:s23] =	ssyncset.done $0x0  }
0xa3: {  	[sflag:s23] =	ssyncadd.s32 s7;
	_ =	sdelay $0x1  }
0xa4: {  	s24 =	simm.s32 $0x1B8B  }
0xa5: {  	_ =	swait.ge [sflag:s24], $0x1  }
0xa6: {  	[sflag:s24] =	ssyncset.done $0x0  }
0xa7: {  	s25 =	simm.s32 $0x1B8E;
	[sflag:s24] =	ssyncadd.s32 $0xFFFFFFFF  }
0xa8: {  	s26 =	simm.s32 $execute0_lowered;
	[smem:$0x3FD2] =	sst s25  }
0xa9: {  	s7 =	sshll.u32 s26, $0x1;
	_ =	strace $0x80000046;
	[dreg:$0x1] =	wrdreg $0xFFFFFFFF  }
0xaa: {  	s28 =	simm.s32 $_size_execute0_lowered;
	s6 =	sadd.s32 s6, s7;
	[dreg:$0x0] =	wrdreg $0x0  }
0xab: {  	s7 =	sshll.u32 s28, $0x1;
	[dreg:$0x2] =	wrdreg s6  }
0xac: {  	[dreg:$0x3] =	wrdreg s7  }
0xad: {  	[dreg:$0x4] =	wrdreg $0xC0  }
0xae: {  	_ =	task [dreg:s10], $0x5FFFF  }
0xaf: {  	[dreg:$0x1] =	wrdreg $0xFFFFFFFF  }
0xb0: {  	[dreg:$0x0] =	wrdreg $0x60  }
0xb1: {  	[dreg:$0x2] =	wrdreg s2  }
0xb2: {  	[dreg:$0x3] =	wrdreg s19  }
0xb3: {  	[dreg:$0x4] =	wrdreg s4  }
0xb4: {  	[dreg:$0x5] =	wrdreg s5  }
0xb5: {  	[dreg:$0x6] =	wrdreg $0x9  }
0xb6: {  	_ =	task.clear_ibuf [dreg:s10], $0x7FFFF;
	_ =	strace $0x90000046  }
0xb7: {  	s29 =	simm.s32 $0x9;
	_ =	strace $0x80000048  }
0xb8: {  	_ =	swait.ge [sflag:s29], $0x1  }
0xb9: {  	[sflag:s29] =	ssyncadd.s32 $0xFFFFFFFF  }
0xba: {  	_ =	strace $0x90000048  }
0xbb: {  	_ =	sfence  }
0xbc: {  	s30 =	sld [smem:$0x0];
	_ =	sdelay $0x2  }
0xbd: {  	s31 =	sshll.u32 s1, $0xD;
	s1 =	sshrl.u32 s1, $0x2  }
0xbe: {  	s3 =	sand.u32 $0x4000, s31;
	s1 =	sadd.s32 s1, s30  }
0xbf: {  	s0 =	sor.u32 s3, s0;
	s1 =	sshll.u32 s1, $0x11  }
0xc0: {  	s0 =	sor.u32 s1, s0  }
0xc1: {  	s0 =	sadd.s32 $0x8F2B, s0  }
0xc2: {  	[sflag:s0] =	ssyncadd.remote.s32 $0x1  }
0xc3: {  	_ =	sfence.sel $0xFFFF  }
0xc4: {  	[dreg:$0x0] =	wrdreg $0xFFFFFFFF;
	(pc) =	sbr.abs _section_cstart, $3  }
0xc5: {  	[dreg:$0x1] =	wrdreg $0xFFFFFFFF  }
0xc6: {  	_ =	task.clear_ibuf [dreg:s10], $0x2FFFF;
	_ =	strace $0x9FFFFFFF  }
0xc7: {  	(tm) =	ssettm $0x7FFFFFFF  }
tec
execute0_lowered:
.L_overlay_start_1:
0x0: {  	(tag) =	ssettag $0x1  }
0x1: {  	s8 =	rddreg [dreg:$0x0]  }
0x2: {  	s9 =	rddreg [dreg:$0x1]  }
0x3: {  	s10 =	rddreg [dreg:$0x2]  }
0x4: {  	s0 =	rddreg [dreg:$0x3];
	s4 =	simm.s32 $0x0  }
0x5: {  	s1 =	srdreg.scid;
	s2 =	stileid.u32;
	s15 =	simm.s32 $0x20000  }
0x6: {  	s16 =	simm.s32 $0x1000;
	s20 =	simm.s32 $0x1;
	s21 =	simm.s32 $0x2  }
0x7: {  	s23 =	simm.s32 $0x3;
	s24 =	simm.s32 $0x0;
	[smem:$0x7FF] =	sst s4  }
0x8: {  	s1 =	sand.u32 $0x1, s1;
	s5 =	sshll.u32 s2, $0xA;
	s6 =	sshll.u32 s2, $0x11  }
0x9: {  	p0 =	sne.s32 s2, $0x0;
	_ =	strace $0x80000047;
	s3 =	ssub.s32 $0x2, s1  }
0xa: {  	s1 =	sshll.u32 s1, $0x9;
	s6 =	sadd.s32 s8, s6;
	s7 =	sshrl.u32 s3, $0x1  }
0xb: {  	s5 =	sor.u32 s1, s5;
	s28 =	sadd.s32 $0x10000, s6;
	s26 =	ssub.s32 s3, s7  }
.Ltmp0:
0xc: {  	[dreg:$0x6] =	wrdreg s28;
	s29 =	sshrl.u32 s5, $0x3;
	(pc) =	sbr.rel .LBB2_1-.Ltmp0, $4  }
0xd: {  	s31 =	sadd.s32 s9, s5;
	[dreg:$0x5] =	wrdreg s5;
	s5 =	sadd.s32 s8, s5  }
0xe: {  	s7 =	simm.s32 $0x2280;
	s8 =	simm.s32 $0x4280;
	[dreg:$0x8] =	wrdreg s31  }
0xf: {  	s9 =	simm.s32 $0x6280;
	s30 =	sadd.s32 s10, s29;
	[dreg:$0x9] =	wrdreg s5  }
0x10: {  	v0 =	vimm.s32 $0x0;
	s11 =	sadd.s32 s0, s29;
	s12 =	smax.u32 s26, $0x1;
	[dreg:$0x7] =	wrdreg s30  }
.LBB2_8:
0x11: {  	s0 =	simm.s32 $0x1  }
0x12: {  	s0 =	simm.s32 @p1 $0x1  }
.LBB2_12:
0x13: {  	s24 =	sadd.s32 $0x1, s24  }
0x14: {  	p1 =	sne.s32 s24, s12  }
.Ltmp1:
0x15: {  	_ = 	snop;
	(pc) =	sbr.rel @!p1 .LBB2_13-.Ltmp1, $4  }
0x16: {  	_ = 	snop  }
0x17: {  	_ =	swait.ge [sflag:s0], $0x200  }
0x18: {  	[sflag:s0] =	ssyncset.done $0x0  }
0x19: {  	[sflag:s0] =	ssyncadd.s32 $0xFFFFFE00  }
.LBB2_1:
0x1a: {  	s0 =	rddreg [dreg:$0x2];
	s1 =	simm.s32 $0x2000  }
0x1b: {  	[tilespmem:s1], [sflag:$0x1] =	stream.linear.gather [hbm4b:s0+s4], $0x10, $0x38;
	[tilespmem:$0x6480] =	vst v63  }
0x1c: {  	s22 =	simm.s32 $0x400;
	s25 =	rddreg [dreg:$0x6]  }
0x1d: {  	[tilespmem:s4], [sflag:$0x1] =	stream.strided.gather [hbm4b:s6+s22], $0x1000, s15, s22, $0x38;
	[tilespmem:$0x6480] =	vst v63  }
0x1e: {  	s26 =	rddreg [dreg:$0x7]  }
0x1f: {  	[tilespmem:s16], [sflag:$0x1] =	stream.strided.gather [hbm4b:s25+s22], $0x1000, s15, s22, $0x38;
	[tilespmem:$0x6480] =	vst v63  }
0x20: {  	s28 =	simm.s32 $0x2080;
	s29 =	rddreg [dreg:$0x8]  }
0x21: {  	[tilespmem:s28], [sflag:$0x1] =	stream.linear.gather [hbm4b:s26+s4], $0x200, $0x38;
	[tilespmem:$0x6480] =	vst v63  }
0x22: {  	s30 =	rddreg [dreg:$0x9];
	s0 =	simm.s32 @!p0 $0x0  }
0x23: {  	[tilespmem:s7], [sflag:$0x1] =	stream.linear.gather [hbm4b:s29+s4], $0x1000, $0x38;
	[tilespmem:$0x6480] =	vst v63  }
0x24: {  	[smem:$0x0] =	sst @!p0 s0  }
0x25: {  	[tilespmem:s8], [sflag:$0x1] =	stream.linear.gather [hbm4b:s30+s4], $0x1000, $0x38;
	[tilespmem:$0x6480] =	vst v63  }
0x26: {  	[bflag:$0x0] =	sbarrier.arrive $0xFFFF  }
0x27: {  	_ =	swait.ge [sflag:s20], $0x10  }
0x28: {  	[sflag:s20] =	ssyncset.done $0x0  }
0x29: {  	[sflag:s20] =	ssyncadd.s32 $0xFFFFFFF0  }
0x2a: {  	_ =	swait.ge [sflag:s20], $0x1000  }
0x2b: {  	[sflag:s20] =	ssyncset.done $0x0  }
0x2c: {  	[sflag:s20] =	ssyncadd.s32 $0xFFFFF000  }
0x2d: {  	s31 =	simm.s32 $0x0;
	v1 =	vld.msk [tilespmem:$0x2000 ss:$0x0], $0xffff  }
0x2e: {  	v3 =	vld [tilespmem:s31+$0x0]  }
0x2f: {  	v2 =	vimm.s32 $0x0;
	s0 =	simm.s32 $0x200  }
.LBB2_2:
0x30: {  	p1 =	sne.s32 s0, $0x3E00  }
.Ltmp2:
0x31: {  	_ = 	snop;
	(pc) =	sbr.rel @p1 .LBB2_2-.Ltmp2, $4  }
0x32: {  	_ = 	snop  }
0x33: {  	s1 =	sshra.s32 s0, $0x2;
	s0 =	sadd.s32 $0x200, s0;
	vm0 =	vlt.f32 v3, v1  }
0x34: {  	v3 =	vld [tilespmem:s1+$0x0];
	v4 =	vsel vm0, $0x1, v0  }
0x35: {  	v2 =	vadd.s32 v4, v2  }
0x36: {  	_ =	sdelay $0x1  }
0x37: {  	_ =	swait.ge [sflag:s20], $0x1000  }
0x38: {  	[sflag:s20] =	ssyncset.done $0x0;
	vm0 =	vlt.f32 v3, v1  }
0x39: {  	s1 =	simm.s32 $0x0;
	[sflag:s20] =	ssyncadd.s32 $0xFFFFF000;
	v3 =	vsel vm0, $0x1, v0  }
0x3a: {  	v2 =	vadd.s32 v3, v2;
	v3 =	vld [tilespmem:s1+$0x1000]  }
0x3b: {  	s0 =	simm.s32 $0x200  }
.LBB2_4:
0x3c: {  	p1 =	sne.s32 s0, $0x3E00  }
.Ltmp3:
0x3d: {  	_ = 	snop;
	(pc) =	sbr.rel @p1 .LBB2_4-.Ltmp3, $4  }
0x3e: {  	_ = 	snop  }
0x3f: {  	s1 =	sshra.s32 s0, $0x2;
	s0 =	sadd.s32 $0x200, s0;
	vm0 =	vlt.f32 v3, v1  }
0x40: {  	v3 =	vld [tilespmem:s1+$0x1000];
	v4 =	vsel vm0, $0x1, v0  }
0x41: {  	v2 =	vadd.s32 v4, v2  }
0x42: {  	_ =	sdelay $0x2  }
0x43: {  	vm0 =	vlt.f32 v3, v1  }
0x44: {  	v1 =	vsel vm0, $0x1, v0  }
0x45: {  	v1 =	vadd.s32 v1, v2  }
0x46: {  	(v2sf) =	vpush v1, $0x0;
	_ =	sdelay $0xe  }
0x47: {  	[sflag:s21] =	ssyncset.done $0x0;
	s1 =	simm.s32 $0x0;
	s0 =	spop (v2sf)  }
0x48: {  	[smem:s1], [sflag:$0x2] =	smem.add.s32 s0  }
0x49: {  	_ =	swait.done [sflag:s21]  }
0x4a: {  	[sflag:s21] =	ssyncset.s32 $0x0  }
0x4b: {  	[sflag:s21] =	ssyncset.done $0x0  }
0x4c: {  	_ =	swait.ge [sflag:s20], $0x1000  }
0x4d: {  	[sflag:s20] =	ssyncset.done $0x0  }
0x4e: {  	[sflag:s20] =	ssyncadd.s32 $0xFFFFF000  }
0x4f: {  	_ =	swait.ge [sflag:s20], $0x1000  }
0x50: {  	[sflag:s20] =	ssyncset.done $0x0  }
0x51: {  	[sflag:s20] =	ssyncadd.s32 $0xFFFFF000  }
0x52: {  	_ =	swait.ge [sflag:s20], $0x200  }
0x53: {  	s2 =	simm.s32 $0x2080;
	s19 =	sand.u32 $0x40, s1;
	[sflag:s20] =	ssyncset.done $0x0  }
0x54: {  	s3 =	sand.u32 $0xC00, s1;
	s13 =	sor.u32 $0x30, s19;
	[sflag:s20] =	ssyncadd.s32 $0xFFFFFE00  }
0x55: {  	s22 =	sor.u32 s3, s13;
	v5 =	vld [tilespmem:s2+$0x0]  }
0x56: {  	s25 =	sor.u32 $0x10, s19;
	v4 =	vld [tilespmem:s22+$0x4280]  }
0x57: {  	s26 =	sor.u32 s3, s25;
	v1 =	vld [tilespmem:s22+$0x4300]  }
0x58: {  	s28 =	sor.u32 $0x20, s19;
	v6 =	vld [tilespmem:s26+$0x4280]  }
0x59: {  	s29 =	sor.u32 s3, s28;
	v2 =	vld [tilespmem:s26+$0x4300]  }
0x5a: {  	v7 =	vld [tilespmem:s29+$0x4280]  }
0x5b: {  	s0 =	sor.u32 s19, s3;
	v3 =	vld [tilespmem:s29+$0x4300]  }
0x5c: {  	v8 =	vld [tilespmem:s0+$0x4280]  }
0x5d: {  	v9 =	vld [tilespmem:s0+$0x4300]  }
0x5e: {  	v10 =	vld [tilespmem:s26+$0x2280]  }
0x5f: {  	v11 =	vld [tilespmem:s26+$0x2300]  }
0x60: {  	v12 =	vld [tilespmem:s22+$0x2280];
	v1 =	vsub.f32 v1, v4  }
0x61: {  	s5 =	sand.u32 $0x180, s1;
	v13 =	vld [tilespmem:s22+$0x2300];
	v2 =	vsub.f32 v2, v6  }
0x62: {  	s10 =	sor.u32 s5, s13;
	v14 =	vld [tilespmem:s29+$0x2280];
	(erf) = vrcp.f32 v1;
	v1 =	vsub.f32 v3, v7  }
0x63: {  	v15 =	vld [tilespmem:s10+$0x2080];
	(erf) = vrcp.f32 v2;
	v2 =	vsub.f32 v9, v8  }
0x64: {  	v16 =	vld [tilespmem:s29+$0x2300];
	(erf) = vrcp.f32 v1  }
0x65: {  	v17 =	vld [tilespmem:s0+$0x2280];
	(erf) = vrcp.f32 v2  }
0x66: {  	s14 =	simm.s32 $0x40;
	s1 =	sor.u32 s5, s25;
	v18 =	vld [tilespmem:s0+$0x2300]  }
0x67: {  	s25 =	simm.s32 $0x200;
	s22 =	sand.u32 $0x40, s14;
	v19 =	vld [tilespmem:s1+$0x2080];
	s26 =	simm.s32 $0x20C0  }
0x68: {  	s19 =	sor.u32 s5, s28;
	s28 =	sand.u32 $0xC00, s25;
	s29 =	sor.u32 $0x30, s22;
	v20 =	vld [tilespmem:s26+$0x0]  }
0x69: {  	s30 =	sor.u32 s28, s29;
	v9 =	vld [tilespmem:s19+$0x2080]  }
0x6a: {  	s17 =	sor.u32 $0x10, s22;
	v21 =	vld [tilespmem:s30+$0x4300];
	v13 =	vsub.f32 v13, v12  }
0x6b: {  	s31 =	sor.u32 s28, s17;
	v11 =	vsub.f32 v11, v10;
	v3 =	vld [tilespmem:s30+$0x4280];
	v24 =	vpop (erf)  }
0x6c: {  	s5 =	sor.u32 $0x20, s22;
	v22 =	vld [tilespmem:s31+$0x4300];
	v15 =	vsub.f32 v15, v4;
	v16 =	vsub.f32 v16, v14;
	v13 =	vmul.f32 v24, v13;
	v4 =	vpop (erf)  }
0x6d: {  	s18 =	sor.u32 s28, s5;
	v18 =	vsub.f32 v18, v17;
	v6 =	vsub.f32 v19, v6;
	v1 =	vld [tilespmem:s31+$0x4280];
	v26 =	vpop (erf)  }
0x6e: {  	v23 =	vld [tilespmem:s18+$0x4300];
	v7 =	vsub.f32 v9, v7;
	v11 =	vmul.f32 v4, v11;
	v13 =	vmul.f32 v13, v15;
	v9 =	vpop (erf)  }
0x6f: {  	s3 =	sor.u32 s22, s28;
	v5 =	vsub.f32 v5, v8;
	v2 =	vld [tilespmem:s18+$0x4280];
	v15 =	vmul.f32 v26, v16;
	v8 =	vmul.f32 v9, v18  }
0x70: {  	v25 =	vld [tilespmem:s3+$0x4280];
	v9 =	vmul.f32 v11, v6;
	v11 =	vadd.f32 v13, v12;
	v12 =	vsub.f32 v21, v3  }
0x71: {  	v62 =	vld [tilespmem:s3+$0x4300]  }
0x72: {  	v63 =	vld [tilespmem:s31+$0x2300];
	v7 =	vmul.f32 v15, v7;
	v15 =	vsub.f32 v22, v1;
	(erf) = vrcp.f32 v12  }
0x73: {  	v4 =	vld [tilespmem:s31+$0x2280]  }
0x74: {  	v6 =	vld [tilespmem:s30+$0x2280];
	[tilespmem:s10+$0x6280] =	vst v11;
	v11 =	vsub.f32 v23, v2;
	(erf) = vrcp.f32 v15  }
0x75: {  	s13 =	sand.u32 $0x180, s14;
	v13 =	vld [tilespmem:s30+$0x2300];
	v8 =	vmul.f32 v8, v5;
	v10 =	vadd.f32 v9, v10  }
0x76: {  	s31 =	sor.u32 s13, s29;
	v5 =	vld [tilespmem:s18+$0x2280];
	v7 =	vadd.f32 v7, v14;
	v14 =	vsub.f32 v62, v25;
	(erf) = vrcp.f32 v11  }
0x77: {  	v9 =	vld [tilespmem:s31+$0x2080]  }
0x78: {  	v12 =	vadd.f32 v8, v17;
	[tilespmem:s1+$0x6280] =	vst v10;
	v10 =	vld [tilespmem:s18+$0x2300];
	(erf) = vrcp.f32 v14  }
0x79: {  	s28 =	simm.s32 $0x6280;
	s0 =	sor.u32 s13, s5;
	v8 =	vld [tilespmem:s3+$0x2280];
	[tilespmem:s19+$0x6280] =	vst v7;
	v7 =	vsub.f32 v20, v25  }
0x7a: {  	s29 =	sor.u32 s13, s17;
	s30 =	simm.s32 $0x4;
	s1 =	simm.s32 $0x80;
	v11 =	vsub.f32 v63, v4;
	[tilespmem:s28+$0x0] =	vst v12;
	v12 =	vld [tilespmem:s3+$0x2300];
	v13 =	vsub.f32 v13, v6  }
.LBB2_6:
0x7b: {  	s5 =	sand.u32 $0x40, s1;
	v14 =	vld [tilespmem:s29+$0x2080];
	s25 =	sadd.s32 $0x200, s25;
	s26 =	sadd.s32 $0x40, s26;
	v15 =	vpop (erf)  }
0x7c: {  	s30 =	sadd.s32 $0x4, s30;
	s17 =	sand.u32 $0xC00, s25;
	s2 =	sor.u32 $0x30, s5;
	v16 =	vld [tilespmem:s0+$0x2080];
	v13 =	vmul.f32 v15, v13;
	v9 =	vsub.f32 v9, v3  }
0x7d: {  	s13 =	sor.u32 $0x10, s5;
	p1 =	slt.u32 s30, $0x1C;
	v15 =	vld [tilespmem:s26+$0x0];
	s18 =	sor.u32 s17, s2;
	v10 =	vsub.f32 v10, v5;
	v17 =	vpop (erf)  }
0x7e: {  	s3 =	sor.u32 s5, s17;
	s19 =	sor.u32 s17, s13;
	s5 =	sor.u32 $0x20, s5;
	v3 =	vld [tilespmem:s18+$0x4280];
	v11 =	vmul.f32 v17, v11;
	v9 =	vmul.f32 v13, v9  }
0x7f: {  	s17 =	sor.u32 s17, s5;
	v13 =	vld [tilespmem:s18+$0x4300];
	v12 =	vsub.f32 v12, v8;
	v17 =	vpop (erf)  }
0x80: {  	v14 =	vsub.f32 v14, v1;
	v1 =	vld [tilespmem:s19+$0x4280];
	v10 =	vmul.f32 v17, v10;
	v6 =	vadd.f32 v9, v6  }
0x81: {  	v9 =	vld [tilespmem:s19+$0x4300];
	v16 =	vsub.f32 v16, v2;
	v17 =	vpop (erf)  }
0x82: {  	v2 =	vld [tilespmem:s17+$0x4280];
	v12 =	vmul.f32 v17, v12;
	v11 =	vmul.f32 v11, v14;
	[tilespmem:s31+$0x6280] =	vst v6  }
0x83: {  	v6 =	vld [tilespmem:s17+$0x4300];
	v10 =	vmul.f32 v10, v16  }
0x84: {  	v14 =	vld [tilespmem:s3+$0x4280];
	v13 =	vsub.f32 v13, v3;
	v7 =	vmul.f32 v12, v7;
	v11 =	vadd.f32 v11, v4  }
0x85: {  	v12 =	vld [tilespmem:s3+$0x4300];
	v5 =	vadd.f32 v10, v5  }
0x86: {  	v4 =	vld [tilespmem:s19+$0x2280];
	v9 =	vsub.f32 v9, v1;
	(erf) = vrcp.f32 v13;
	v7 =	vadd.f32 v7, v8;
	[tilespmem:s29+$0x6280] =	vst v11  }
0x87: {  	s28 =	sadd.s32 $0x40, s28;
	v8 =	vld [tilespmem:s19+$0x2300];
	[tilespmem:s0+$0x6280] =	vst v5  }
0x88: {  	s19 =	sand.u32 $0x180, s1;
	v10 =	vsub.f32 v6, v2;
	v6 =	vld [tilespmem:s18+$0x2280];
	(erf) = vrcp.f32 v9;
	[tilespmem:s28+$0x0] =	vst v7  }
0x89: {  	s29 =	sor.u32 s19, s13;
	v7 =	vsub.f32 v15, v14;
	v13 =	vld [tilespmem:s18+$0x2300]  }
.Ltmp4:
0x8a: {  	s0 =	sor.u32 s19, s5;
	s31 =	sor.u32 s19, s2;
	v12 =	vsub.f32 v12, v14;
	v5 =	vld [tilespmem:s17+$0x2280];
	(erf) = vrcp.f32 v10;
	(pc) =	sbr.rel @p1 .LBB2_6-.Ltmp4, $4  }
0x8b: {  	v9 =	vld [tilespmem:s31+$0x2080]  }
0x8c: {  	v11 =	vsub.f32 v8, v4;
	v10 =	vld [tilespmem:s17+$0x2300];
	(erf) = vrcp.f32 v12  }
0x8d: {  	v8 =	vld [tilespmem:s3+$0x2280]  }
0x8e: {  	s1 =	sadd.s32 $0x40, s1;
	v12 =	vld [tilespmem:s3+$0x2300];
	v13 =	vsub.f32 v13, v6  }
0x8f: {  	v14 =	vld [tilespmem:s29+$0x2080]  }
0x90: {  	v15 =	vld [tilespmem:s0+$0x2080];
	_ =	sdelay $0x1  }
0x91: {  	v16 =	vpop (erf)  }
0x92: {  	v13 =	vmul.f32 v16, v13;
	v3 =	vsub.f32 v9, v3;
	v58 =	vsub.f32 v10, v5;
	v59 =	vpop (erf)  }
0x93: {  	v10 =	vmul.f32 v59, v11;
	v60 =	vsub.f32 v12, v8;
	v61 =	vpop (erf);
	v1 =	vsub.f32 v14, v1  }
0x94: {  	v3 =	vmul.f32 v13, v3;
	v9 =	vmul.f32 v61, v58;
	v2 =	vsub.f32 v15, v2;
	v62 =	vpop (erf)  }
0x95: {  	v11 =	vmul.f32 v62, v60;
	v1 =	vmul.f32 v10, v1  }
0x96: {  	v3 =	vadd.f32 v3, v6;
	v2 =	vmul.f32 v9, v2  }
0x97: {  	v63 =	vmul.f32 v11, v7;
	v1 =	vadd.f32 v1, v4  }
0x98: {  	[tilespmem:s31+$0x6280] =	vst v3;
	v2 =	vadd.f32 v2, v5  }
0x99: {  	v3 =	vadd.f32 v63, v8;
	[tilespmem:s29+$0x6280] =	vst v1  }
0x9a: {  	s31 =	sadd.s32 $0x40, s28;
	[tilespmem:s0+$0x6280] =	vst v2  }
0x9b: {  	[tilespmem:s31+$0x0] =	vst v3  }
0x9c: {  	[hbm4b:s11+s4] =	stream.linear.scatter [tilespmem:s9], [sflag:$0x1], $0x200, $0x38;
	[tilespmem:$0x6480] =	vst v63  }
0x9d: {  	[bflag:$0x0] =	sbarrier.arrive $0xFFFF  }
0x9e: {  	[sflag:s23] =	ssyncset.done $0x0  }
0x9f: {  	[smem:s4], [sflag:$0x3] =	smem.add.s32 $0x0  }
0xa0: {  	_ =	swait.done [sflag:s23]  }
0xa1: {  	s0 =	ssyncread [sflag:$0x3];
	_ =	sdelay $0x2  }
0xa2: {  	p2 =	sgt.s32 s0, $0x1  }
0xa3: {  	p1 =	sgt.s32 s0, $0x3FF;
	s0 =	simm.s32 @!p2 $0x1  }
0xa4: {  	s0 =	sadd.s32 $0xFFFFFFFF, s0  }
0xa5: {  	p2 =	seq.s32 @!p1 s0, $0x0  }
0xa6: {  	p2 =	por p1, p2  }
.Ltmp5:
0xa7: {  	_ = 	snop;
	(pc) =	sbr.rel @p2 .LBB2_8-.Ltmp5, $3  }
0xa8: {  	_ =	sdelay $0x1  }
0xa9: {  	[sflag:s23] =	ssyncset.s32 $0x0  }
0xaa: {  	[sflag:s23] =	ssyncset.done $0x0  }
0xab: {  	s1 =	sand.u32 $0xFFFFFFF8, s0  }
0xac: {  	s1 =	smin.u32 s1, $0x3F0  }
0xad: {  	s3 =	rddreg [dreg:$0x5];
	s2 =	sshll.u32 s1, $0xB  }
0xae: {  	s22 =	rddreg [dreg:$0x1];
	s2 =	sor.u32 s3, s2  }
0xaf: {  	s25 =	rddreg [dreg:$0x0];
	s3 =	sadd.s32 s22, s2  }
0xb0: {  	[tilespmem:s7], [sflag:$0x1] =	stream.strided.gather [hbm4b:s3+s16], $0x2000, s15, s16, $0x38;
	[tilespmem:$0x6480] =	vst v63  }
0xb1: {  	s2 =	sadd.s32 s25, s2  }
0xb2: {  	[tilespmem:s8], [sflag:$0x1] =	stream.strided.gather [hbm4b:s2+s16], $0x2000, s15, s16, $0x38;
	[tilespmem:$0x6480] =	vst v63  }
0xb3: {  	s10 =	simm.s32 $0x2080;
	s1 =	ssub.s32 s0, s1;
	_ =	swait.ge [sflag:s20], $0x2000  }
0xb4: {  	s26 =	sshll.u32 s1, $0x9;
	s1 =	sadd.s32 $0x1, s1;
	[sflag:s20] =	ssyncset.done $0x0  }
0xb5: {  	s5 =	sshll.u32 s1, $0x9;
	s1 =	sshll.u32 s1, $0x7;
	[sflag:s20] =	ssyncadd.s32 $0xFFFFE000  }
0xb6: {  	s3 =	sshll.u32 s0, $0x7;
	s1 =	sand.u32 $0x380, s1;
	_ =	swait.ge [sflag:s20], $0x2000  }
0xb7: {  	s7 =	simm.s32 $0x0;
	s0 =	sand.u32 $0x380, s3;
	[sflag:s20] =	ssyncset.done $0x0  }
0xb8: {  	s9 =	sand.u32 $0xC00, s7;
	s2 =	sand.u32 $0xFFFFF000, s26;
	[sflag:s20] =	ssyncadd.s32 $0xFFFFE000  }
0xb9: {  	s8 =	sand.u32 $0x40, s7;
	s25 =	sor.u32 s0, s2;
	_ =	swait.ge [sflag:s20], $0x200  }
0xba: {  	s0 =	sand.u32 $0xFFFFF000, s5;
	s13 =	sor.u32 $0x30, s8;
	[sflag:s20] =	ssyncset.done $0x0  }
0xbb: {  	s26 =	sor.u32 s1, s0;
	s5 =	sor.u32 s9, s25;
	[sflag:s20] =	ssyncadd.s32 $0xFFFFFE00  }
0xbc: {  	s1 =	sor.u32 s9, s26;
	s14 =	sor.u32 s13, s5;
	v5 =	vld [tilespmem:s10+$0x0]  }
0xbd: {  	s17 =	sor.u32 s13, s1;
	v4 =	vld [tilespmem:s14+$0x4280]  }
0xbe: {  	s18 =	sor.u32 s8, s5;
	v1 =	vld [tilespmem:s17+$0x4280]  }
0xbf: {  	s19 =	sor.u32 $0x10, s8;
	s28 =	sor.u32 s8, s1;
	v7 =	vld [tilespmem:s18+$0x4280]  }
0xc0: {  	s29 =	sor.u32 s19, s5;
	v2 =	vld [tilespmem:s28+$0x4280]  }
0xc1: {  	s30 =	sor.u32 $0x20, s8;
	s31 =	sor.u32 s19, s1;
	v6 =	vld [tilespmem:s29+$0x4280]  }
0xc2: {  	s5 =	sor.u32 s30, s5;
	v3 =	vld [tilespmem:s31+$0x4280]  }
0xc3: {  	s1 =	sor.u32 s30, s1;
	v8 =	vld [tilespmem:s5+$0x4280]  }
0xc4: {  	v9 =	vld [tilespmem:s1+$0x4280]  }
0xc5: {  	v10 =	vld [tilespmem:s18+$0x2280]  }
0xc6: {  	v11 =	vld [tilespmem:s28+$0x2280]  }
0xc7: {  	v12 =	vld [tilespmem:s14+$0x2280]  }
0xc8: {  	s22 =	sand.u32 $0x180, s7;
	v13 =	vld [tilespmem:s17+$0x2280];
	v1 =	vsub.f32 v1, v4  }
0xc9: {  	s0 =	sor.u32 s22, s13;
	v14 =	vld [tilespmem:s29+$0x2280];
	v2 =	vsub.f32 v2, v7  }
0xca: {  	v15 =	vld [tilespmem:s0+$0x2080];
	(erf) = vrcp.f32 v1;
	v1 =	vsub.f32 v3, v6  }
0xcb: {  	s3 =	simm.s32 $0x40;
	s2 =	simm.s32 $0x200;
	v16 =	vld [tilespmem:s31+$0x2280];
	(erf) = vrcp.f32 v2  }
0xcc: {  	s7 =	sand.u32 $0x40, s3;
	s8 =	sor.u32 s22, s30;
	v17 =	vld [tilespmem:s5+$0x2280];
	s5 =	sand.u32 $0xC00, s2;
	(erf) = vrcp.f32 v1  }
0xcd: {  	v18 =	vld [tilespmem:s1+$0x2280];
	s10 =	sor.u32 $0x30, s7;
	s9 =	sor.u32 s5, s25;
	s5 =	sor.u32 s5, s26  }
0xce: {  	v19 =	vld [tilespmem:s8+$0x2080];
	s29 =	sor.u32 s10, s5  }
0xcf: {  	s28 =	sor.u32 s7, s9;
	v20 =	vld [tilespmem:s29+$0x4280];
	v2 =	vsub.f32 v9, v8  }
0xd0: {  	s13 =	sor.u32 s22, s19;
	v21 =	vld [tilespmem:s28+$0x4280]  }
0xd1: {  	s30 =	sor.u32 s7, s5;
	v9 =	vld [tilespmem:s13+$0x2080];
	(erf) = vrcp.f32 v2  }
0xd2: {  	s14 =	sor.u32 s10, s9;
	v22 =	vld [tilespmem:s30+$0x4280];
	v13 =	vsub.f32 v13, v12  }
0xd3: {  	v2 =	vld [tilespmem:s14+$0x4280];
	v24 =	vpop (erf)  }
0xd4: {  	s31 =	sor.u32 $0x10, s7;
	v23 =	vld [tilespmem:s30+$0x2280];
	v16 =	vsub.f32 v16, v14;
	v15 =	vsub.f32 v15, v4;
	v25 =	vpop (erf);
	v13 =	vmul.f32 v24, v13  }
0xd5: {  	s30 =	sor.u32 s31, s5;
	v63 =	vld [tilespmem:s29+$0x2280];
	v11 =	vsub.f32 v11, v10;
	v59 =	vpop (erf)  }
0xd6: {  	s17 =	sor.u32 $0x20, s7;
	s22 =	sor.u32 s31, s9;
	v26 =	vld [tilespmem:s30+$0x4280];
	v9 =	vsub.f32 v9, v6;
	v16 =	vmul.f32 v59, v16;
	v13 =	vmul.f32 v13, v15  }
0xd7: {  	s5 =	sor.u32 s17, s5;
	v7 =	vsub.f32 v5, v7;
	v3 =	vld [tilespmem:s22+$0x4280];
	v11 =	vmul.f32 v25, v11  }
0xd8: {  	s18 =	sor.u32 s17, s9;
	v61 =	vld [tilespmem:s5+$0x4280];
	v9 =	vmul.f32 v16, v9;
	v12 =	vadd.f32 v13, v12;
	v13 =	vsub.f32 v20, v2  }
0xd9: {  	v18 =	vsub.f32 v18, v17;
	v4 =	vld [tilespmem:s18+$0x4280];
	v7 =	vmul.f32 v11, v7  }
0xda: {  	v5 =	vld [tilespmem:s22+$0x2280];
	v60 =	vpop (erf);
	v11 =	vadd.f32 v9, v14;
	v14 =	vsub.f32 v22, v21;
	(erf) = vrcp.f32 v13  }
0xdb: {  	v8 =	vsub.f32 v19, v8;
	v1 =	vld [tilespmem:s28+$0x2280]  }
0xdc: {  	s28 =	simm.s32 $0x20C0;
	v6 =	vld [tilespmem:s14+$0x2280];
	v15 =	vmul.f32 v60, v18;
	[tilespmem:s0+$0x6280] =	vst v12;
	v12 =	vsub.f32 v26, v3;
	(erf) = vrcp.f32 v14  }
0xdd: {  	s22 =	sand.u32 $0x180, s3;
	v62 =	vld [tilespmem:s28+$0x0]  }
0xde: {  	s2 =	sor.u32 s22, s10;
	v8 =	vmul.f32 v15, v8;
	[tilespmem:s13+$0x6280] =	vst v11;
	v11 =	vsub.f32 v61, v4;
	(erf) = vrcp.f32 v12  }
0xdf: {  	v10 =	vadd.f32 v7, v10;
	v12 =	vld [tilespmem:s2+$0x2080]  }
0xe0: {  	s29 =	simm.s32 $0x6280;
	v9 =	vld [tilespmem:s30+$0x2280];
	v8 =	vadd.f32 v8, v17;
	(erf) = vrcp.f32 v11  }
0xe1: {  	s1 =	simm.s32 $0x400;
	s3 =	simm.s32 $0x80;
	v7 =	vld [tilespmem:s18+$0x2280];
	v13 =	vsub.f32 v63, v6;
	[tilespmem:s29+$0x0] =	vst v10  }
0xe2: {  	s31 =	sor.u32 s22, s31;
	s0 =	simm.s32 $0x4;
	s30 =	sor.u32 s22, s17;
	v10 =	vsub.f32 v23, v1;
	[tilespmem:s8+$0x6280] =	vst v8;
	v8 =	vsub.f32 v62, v21;
	v11 =	vld [tilespmem:s5+$0x2280]  }
.LBB2_10:
0xe3: {  	s5 =	sand.u32 $0x40, s3;
	s17 =	sand.u32 $0xC00, s1;
	v14 =	vld [tilespmem:s31+$0x2080];
	s28 =	sadd.s32 $0x40, s28;
	v15 =	vpop (erf)  }
0xe4: {  	s0 =	sadd.s32 $0x4, s0;
	s18 =	sor.u32 s17, s25;
	s13 =	sor.u32 $0x30, s5;
	v16 =	vld [tilespmem:s30+$0x2080];
	v13 =	vmul.f32 v15, v13;
	v12 =	vsub.f32 v12, v2  }
0xe5: {  	s17 =	sor.u32 s17, s26;
	p1 =	slt.u32 s0, $0x1C;
	v15 =	vld [tilespmem:s28+$0x0];
	s19 =	sor.u32 s13, s18;
	v9 =	vsub.f32 v9, v5;
	v17 =	vpop (erf)  }
0xe6: {  	s22 =	sor.u32 $0x10, s5;
	s14 =	sor.u32 $0x20, s5;
	s7 =	sor.u32 s13, s17;
	v2 =	vld [tilespmem:s19+$0x4280];
	v10 =	vmul.f32 v17, v10;
	v12 =	vmul.f32 v13, v12  }
0xe7: {  	s8 =	sor.u32 s5, s18;
	s5 =	sor.u32 s5, s17;
	s9 =	sor.u32 s22, s18;
	v13 =	vld [tilespmem:s7+$0x4280];
	v11 =	vsub.f32 v11, v7;
	v17 =	vpop (erf)  }
0xe8: {  	s10 =	sor.u32 s22, s17;
	s18 =	sor.u32 s14, s18;
	s17 =	sor.u32 s14, s17;
	v18 =	vld [tilespmem:s8+$0x4280];
	v9 =	vmul.f32 v17, v9;
	v14 =	vsub.f32 v14, v3;
	v6 =	vadd.f32 v12, v6  }
0xe9: {  	v8 =	vmul.f32 v10, v8;
	v12 =	vld [tilespmem:s5+$0x4280];
	v10 =	vsub.f32 v16, v4;
	v4 =	vpop (erf)  }
0xea: {  	v3 =	vld [tilespmem:s9+$0x4280];
	v9 =	vmul.f32 v9, v14;
	v11 =	vmul.f32 v4, v11;
	[tilespmem:s2+$0x6280] =	vst v6  }
0xeb: {  	v1 =	vadd.f32 v8, v1;
	v6 =	vld [tilespmem:s10+$0x4280]  }
0xec: {  	s29 =	sadd.s32 $0x40, s29;
	v4 =	vld [tilespmem:s18+$0x4280];
	v13 =	vsub.f32 v13, v2;
	v5 =	vadd.f32 v9, v5;
	v9 =	vmul.f32 v11, v10  }
0xed: {  	v8 =	vsub.f32 v15, v18;
	v10 =	vld [tilespmem:s17+$0x4280];
	[tilespmem:s29+$0x0] =	vst v1  }
0xee: {  	v1 =	vld [tilespmem:s8+$0x2280];
	v11 =	vsub.f32 v12, v18;
	(erf) = vrcp.f32 v13;
	[tilespmem:s31+$0x6280] =	vst v5;
	v5 =	vadd.f32 v9, v7  }
0xef: {  	v7 =	vld [tilespmem:s5+$0x2280]  }
0xf0: {  	s2 =	sand.u32 $0x180, s3;
	v9 =	vsub.f32 v6, v3;
	v6 =	vld [tilespmem:s19+$0x2280];
	(erf) = vrcp.f32 v11;
	[tilespmem:s30+$0x6280] =	vst v5  }
0xf1: {  	s31 =	sor.u32 s2, s22;
	v13 =	vld [tilespmem:s7+$0x2280]  }
.Ltmp6:
0xf2: {  	s30 =	sor.u32 s2, s14;
	s2 =	sor.u32 s2, s13;
	v5 =	vld [tilespmem:s9+$0x2280];
	v11 =	vsub.f32 v10, v4;
	(erf) = vrcp.f32 v9;
	(pc) =	sbr.rel @p1 .LBB2_10-.Ltmp6, $4  }
0xf3: {  	v12 =	vld [tilespmem:s2+$0x2080]  }
0xf4: {  	v10 =	vsub.f32 v7, v1;
	v9 =	vld [tilespmem:s10+$0x2280];
	(erf) = vrcp.f32 v11  }
0xf5: {  	v7 =	vld [tilespmem:s18+$0x2280]  }
0xf6: {  	s1 =	sadd.s32 $0x200, s1;
	s3 =	sadd.s32 $0x40, s3;
	v11 =	vld [tilespmem:s17+$0x2280];
	v13 =	vsub.f32 v13, v6  }
0xf7: {  	_ = 	snop  }
0xf8: {  	v14 =	vld [tilespmem:s31+$0x2080]  }
0xf9: {  	v15 =	vld [tilespmem:s30+$0x2080]  }
0xfa: {  	v16 =	vpop (erf)  }
0xfb: {  	v13 =	vmul.f32 v16, v13;
	v2 =	vsub.f32 v12, v2;
	v9 =	vsub.f32 v9, v5;
	v60 =	vpop (erf)  }
0xfc: {  	v10 =	vmul.f32 v60, v10;
	v11 =	vsub.f32 v11, v7;
	v61 =	vpop (erf)  }
0xfd: {  	v2 =	vmul.f32 v13, v2;
	v9 =	vmul.f32 v61, v9;
	v3 =	vsub.f32 v14, v3;
	v62 =	vpop (erf)  }
0xfe: {  	v8 =	vmul.f32 v10, v8;
	v4 =	vsub.f32 v15, v4;
	v63 =	vmul.f32 v62, v11  }
0xff: {  	v2 =	vadd.f32 v2, v6;
	v3 =	vmul.f32 v9, v3  }
0x100: {  	v1 =	vadd.f32 v8, v1;
	v4 =	vmul.f32 v63, v4  }
.Ltmp7:
0x101: {  	s0 =	sadd.s32 $0x40, s29;
	[tilespmem:s2+$0x6280] =	vst v2;
	v2 =	vadd.f32 v3, v5;
	(pc) =	sbr.rel .LBB2_12-.Ltmp7, $4  }
0x102: {  	[tilespmem:s0+$0x0] =	vst v1;
	v1 =	vadd.f32 v4, v7  }
0x103: {  	s9 =	simm.s32 $0x6280;
	[tilespmem:s31+$0x6280] =	vst v2  }
0x104: {  	s7 =	simm.s32 $0x2280;
	s8 =	simm.s32 $0x4280;
	s0 =	simm.s32 $0x4;
	[tilespmem:s30+$0x6280] =	vst v1  }
0x105: {  	[hbm4b:s11+s4] =	stream.linear.scatter [tilespmem:s9], [sflag:$0x4], $0x200, $0x38;
	[tilespmem:$0x6480] =	vst v63  }
.LBB2_13:
0x106: {  	_ =	sfence.sel $0x180000  }
0x107: {  	[bflag:$0x0] =	sbarrier.arrive $0xFFFF  }
0x108: {  	_ =	strace $0x90000047  }
0x109: {  	[bflag:$0x2] =	sbarrier.arrive $0xFFFF  }
0x10a: {  	s0 =	rddreg [dreg:$0x4]  }
0x10b: {  	s0 =	sadd.s32 @!p0 $0x100000, s0  }
0x10c: {  	[sflag:s0] =	ssyncadd.tile.s32 @!p0 $0x1;
	_ =	shalt  }
.Lfunc_end2:
_tile_overlayer_lowered:
.L_overlay_start_2:
0x10d: {  	(tag) =	ssettag $0x2  }
0x10e: {  	s0 =	rddreg [dreg:$0x0];
	s2 =	stileid.u32  }
0x10f: {  	s1 =	rddreg [dreg:$0x1];
	p0 =	sne.s32 s2, $0x0  }
0x110: {  	s3 =	rddreg [dreg:$0x2];
	[bflag:$0x3] =	sbarrier.arrive $0xFFFF;
	s2 =	simm.s32 @!p0 $0x1C02  }
0x111: {  	[timem:s3], [sflag:s2] =	dma.local @!p0 [hbm:s0], s1  }
0x112: {  	s0 =	simm.s32 @!p0 $0x2  }
0x113: {  	_ =	swait.ge @!p0 [sflag:s0], s1  }
0x114: {  	s1 =	ssub.s32 @!p0 $0x0, s1;
	[sflag:s0] =	ssyncset.done @!p0 $0x0  }
0x115: {  	[sflag:s0] =	ssyncadd.s32 @!p0 s1  }
0x116: {  	[bflag:$0x3] =	sbarrier.arrive $0xFFFF  }
0x117: {  	_ =	shalt  }

</sc_bundles>
